<compile_context>
chip_gen: v7x
topology: tpu7x:2x2x1
jax: 0.10.2.dev20260603
libtpu: 0.0.44.dev20260713+nightly
codegen_flags: <defaults>
</compile_context>

<pallas_src>
import functools

import jax
import jax.numpy as jnp
from jax import lax
from jax.experimental import pallas as pl
from jax.experimental.pallas import tpu as pltpu
from jax.experimental.pallas import tpu_sc as plsc

_W = 16
_NBUF = 10


def _gather_rows(table, idx_flat):
    B = idx_flat.shape[0]
    V, D = table.shape
    NC, NS = 2, 16
    NW = NC * NS
    PW = B // NW
    G = PW // _W
    assert PW % _W == 0 and G % _NBUF == 0 and B % NW == 0
    mesh = plsc.VectorSubcoreMesh(core_axis_name="c", subcore_axis_name="s")

    @functools.partial(
        pl.kernel,
        mesh=mesh,
        out_type=jax.ShapeDtypeStruct((B, D), table.dtype),
        scratch_types=[
            pltpu.VMEM((PW,), jnp.int32),
            pltpu.VMEM((_NBUF, _W, D), table.dtype),
        ]
        + [pltpu.SemaphoreType.DMA] * (2 * _NBUF),
    )
    def emb(table_hbm, idx_hbm, out_hbm, idx_v, bufs, *sems):
        gsem, wsem = sems[:_NBUF], sems[_NBUF:]
        wid = lax.axis_index("s") * NC + lax.axis_index("c")
        base = wid * PW
        pltpu.sync_copy(idx_hbm.at[pl.ds(base, PW)], idx_v)

        def gather_copy(k, b):
            return pltpu.make_async_copy(
                table_hbm.at[idx_v.at[pl.ds(pl.multiple_of(k * _W, 8), _W)]],
                bufs.at[b],
                gsem[b],
            )

        def write_copy(k, b):
            return pltpu.make_async_copy(
                bufs.at[b], out_hbm.at[pl.ds(base + k * _W, _W)], wsem[b]
            )

        for b in range(_NBUF):
            gather_copy(b, b).start()

        @pl.loop(0, G, step=_NBUF)
        def _(g):
            for b in range(_NBUF):
                k = g + b
                bp = (b - 1) % _NBUF
                kr = k - 1 + _NBUF

                @pl.when(jnp.logical_and(kr >= _NBUF, kr < G))
                def _():
                    write_copy(kr - _NBUF, bp).wait()
                    gather_copy(kr, bp).start()

                gather_copy(k, b).wait()
                write_copy(k, b).start()

        for b in range(_NBUF):
            write_copy(0, b).wait()

    return emb(table, idx_flat)


def kernel(input_ids, table):
    Bb, S = input_ids.shape
    D = table.shape[1]
    out = _gather_rows(table, input_ids.T.reshape(Bb * S))
    return out.reshape(S, Bb, D).transpose(1, 0, 2)

# --- scband reference (transcript-rebuilt; emitter-appended) ---
"""Pipeline reference for scband-pulse-embeddings-41772851921152 (READ-ONLY COPY).

The authoritative reference and input builder live on the scoring server;
editing this copy changes nothing except your own understanding.
"""

import jax, jax.numpy as jnp
import numpy as np

VOCAB = 100000
HIDDEN = 768
PAD_IDX = 0


def setup_inputs(seed: int = 0) -> dict:
    key = jax.random.key(seed)
    k1, k2 = jax.random.split(key)
    table = jax.random.normal(k1, (VOCAB, HIDDEN), dtype=jnp.float32) * 0.02
    # padding_idx row is initialized to zeros in nn.Embedding
    table = table.at[PAD_IDX].set(0.0)
    input_ids = jax.random.randint(k2, (1024, 50), 0, VOCAB, dtype=jnp.int32)
    return {"input_ids": input_ids, "table": table}


def reference(input_ids, table):
    # Faithful to nn.Embedding forward: plain row gather
    return jnp.take(table, input_ids, axis=0)

if __name__ == "__main__":
    import jax
    _d = setup_inputs()
    print(jax.jit(kernel)(*tuple(_d.values())))

</pallas_src>

<mosaic_0001>
#map = affine_map<(d0, d1) -> (0, 0)>
#map1 = affine_map<(d0, d1) -> (0)>
module attributes {stable_mosaic.version = 14 : i64} {
  func.func @emb(%arg0: i32, %arg1: i32, %arg2: memref<100000x768xf32, #tpu.memory_space<hbm>>, %arg3: memref<51200xi32, #tpu.memory_space<hbm>>, %arg4: memref<51200x768xf32, #tpu.memory_space<hbm>>, %arg5: memref<1600xi32, #tpu.memory_space<vmem>>, %arg6: memref<10x16x768xf32, #tpu.memory_space<vmem>>, %arg7: memref<!tpu.dma_semaphore, #tpu.memory_space<semaphore_mem>>, %arg8: memref<!tpu.dma_semaphore, #tpu.memory_space<semaphore_mem>>, %arg9: memref<!tpu.dma_semaphore, #tpu.memory_space<semaphore_mem>>, %arg10: memref<!tpu.dma_semaphore, #tpu.memory_space<semaphore_mem>>, %arg11: memref<!tpu.dma_semaphore, #tpu.memory_space<semaphore_mem>>, %arg12: memref<!tpu.dma_semaphore, #tpu.memory_space<semaphore_mem>>, %arg13: memref<!tpu.dma_semaphore, #tpu.memory_space<semaphore_mem>>, %arg14: memref<!tpu.dma_semaphore, #tpu.memory_space<semaphore_mem>>, %arg15: memref<!tpu.dma_semaphore, #tpu.memory_space<semaphore_mem>>, %arg16: memref<!tpu.dma_semaphore, #tpu.memory_space<semaphore_mem>>, %arg17: memref<!tpu.dma_semaphore, #tpu.memory_space<semaphore_mem>>, %arg18: memref<!tpu.dma_semaphore, #tpu.memory_space<semaphore_mem>>, %arg19: memref<!tpu.dma_semaphore, #tpu.memory_space<semaphore_mem>>, %arg20: memref<!tpu.dma_semaphore, #tpu.memory_space<semaphore_mem>>, %arg21: memref<!tpu.dma_semaphore, #tpu.memory_space<semaphore_mem>>, %arg22: memref<!tpu.dma_semaphore, #tpu.memory_space<semaphore_mem>>, %arg23: memref<!tpu.dma_semaphore, #tpu.memory_space<semaphore_mem>>, %arg24: memref<!tpu.dma_semaphore, #tpu.memory_space<semaphore_mem>>, %arg25: memref<!tpu.dma_semaphore, #tpu.memory_space<semaphore_mem>>, %arg26: memref<!tpu.dma_semaphore, #tpu.memory_space<semaphore_mem>>) attributes {dimension_semantics = [#tpu.dimension_semantics<core_parallel>, #tpu.dimension_semantics<subcore_parallel>], iteration_bounds = array<i64: 2, 16>, scalar_prefetch = 0 : i64, scratch_operands = 22 : i64, tpu.core_type = #tpu.core_type<sc_vector_subcore>, window_params = [{transform_indices = #map}, {transform_indices = #map1}, {transform_indices = #map}]} {
    %mul3A = arith.constant 2 : i32
    %mul3A_0 = arith.muli %arg1, %mul3A : i32
    %add3A = arith.addi %mul3A_0, %arg0 : i32
    %mul3A_1 = arith.constant 1600 : i32
    %mul3A_2 = arith.muli %add3A, %mul3A_1 : i32
    "tpu.region"() ({
      %run_scoped3A = tpu.sem_alloc : memref<!tpu.dma_semaphore, #tpu.memory_space<semaphore_mem>>
      %dma_start3A_264 = tpu.memref_slice %arg3[%mul3A_2] : memref<51200xi32, #tpu.memory_space<hbm>> -> memref<1600xi32, #tpu.memory_space<hbm>>
      %dma_start3A_265 = tpu.memref_slice %arg3[%mul3A_2] : memref<51200xi32, #tpu.memory_space<hbm>> -> memref<1600xi32, #tpu.memory_space<hbm>>
      tpu.enqueue_dma source(%dma_start3A_265 : memref<1600xi32, #tpu.memory_space<hbm>>) target(%arg5 : memref<1600xi32, #tpu.memory_space<vmem>>) target_semaphore(%run_scoped3A : memref<!tpu.dma_semaphore, #tpu.memory_space<semaphore_mem>>)
      %dma_wait3A_266 = tpu.memref_slice %arg3[%mul3A_2] : memref<51200xi32, #tpu.memory_space<hbm>> -> memref<1600xi32, #tpu.memory_space<hbm>>
      %dma_wait3A_267 = tpu.memref_slice %arg3[%mul3A_2] : memref<51200xi32, #tpu.memory_space<hbm>> -> memref<1600xi32, #tpu.memory_space<hbm>>
      tpu.wait_dma2 semaphore(%run_scoped3A : memref<!tpu.dma_semaphore, #tpu.memory_space<semaphore_mem>>) src(%dma_wait3A_267 : memref<1600xi32, #tpu.memory_space<hbm>>) dst(%arg5 : memref<1600xi32, #tpu.memory_space<vmem>>)
      tpu.yield
    }) : () -> ()
    %multiple_of3A = arith.constant 0 : i32
    %multiple_of3A_3 = tpu.assume_multiple %multiple_of3A, 8 : i32
    %dma_start3A = arith.constant 0 : i32
    %dma_start3A_4 = arith.constant 0 : i32
    %dma_start3A_5 = arith.constant 0 : i32
    %dma_start3A_6 = tpu.memref_slice %arg6[%dma_start3A, %dma_start3A_4, %dma_start3A_5] : memref<10x16x768xf32, #tpu.memory_space<vmem>> -> memref<1x16x768xf32, #tpu.memory_space<vmem>>
    %dma_start3A_7 = tpu.memref_squeeze %dma_start3A_6 : memref<1x16x768xf32, #tpu.memory_space<vmem>> -> memref<16x768xf32, #tpu.memory_space<vmem>>
    %dma_start3A_8 = tpu.memref_slice %arg5[%multiple_of3A_3] : memref<1600xi32, #tpu.memory_space<vmem>> -> memref<16xi32, #tpu.memory_space<vmem>>
    %dma_start3A_9 = arith.constant 0 : i32
    %dma_start3A_10 = arith.constant 0 : i32
    %dma_start3A_11 = tpu.memref_slice %arg2[%dma_start3A_9, %dma_start3A_10] : memref<100000x768xf32, #tpu.memory_space<hbm>> -> memref<100000x768xf32, #tpu.memory_space<hbm>>
    tpu.enqueue_indirect_dma source(%dma_start3A_11 : memref<100000x768xf32, #tpu.memory_space<hbm>>) target(%dma_start3A_7 : memref<16x768xf32, #tpu.memory_space<vmem>>) offsets(%dma_start3A_8 : memref<16xi32, #tpu.memory_space<vmem>>) semaphore(%arg7 : memref<!tpu.dma_semaphore, #tpu.memory_space<semaphore_mem>>)
    %multiple_of3A_12 = arith.constant 16 : i32
    %multiple_of3A_13 = tpu.assume_multiple %multiple_of3A_12, 8 : i32
    %dma_start3A_14 = arith.constant 1 : i32
    %dma_start3A_15 = arith.constant 0 : i32
    %dma_start3A_16 = arith.constant 0 : i32
    %dma_start3A_17 = tpu.memref_slice %arg6[%dma_start3A_14, %dma_start3A_15, %dma_start3A_16] : memref<10x16x768xf32, #tpu.memory_space<vmem>> -> memref<1x16x768xf32, #tpu.memory_space<vmem>>
    %dma_start3A_18 = tpu.memref_squeeze %dma_start3A_17 : memref<1x16x768xf32, #tpu.memory_space<vmem>> -> memref<16x768xf32, #tpu.memory_space<vmem>>
    %dma_start3A_19 = tpu.memref_slice %arg5[%multiple_of3A_13] : memref<1600xi32, #tpu.memory_space<vmem>> -> memref<16xi32, #tpu.memory_space<vmem>>
    %dma_start3A_20 = arith.constant 0 : i32
    %dma_start3A_21 = arith.constant 0 : i32
    %dma_start3A_22 = tpu.memref_slice %arg2[%dma_start3A_20, %dma_start3A_21] : memref<100000x768xf32, #tpu.memory_space<hbm>> -> memref<100000x768xf32, #tpu.memory_space<hbm>>
    tpu.enqueue_indirect_dma source(%dma_start3A_22 : memref<100000x768xf32, #tpu.memory_space<hbm>>) target(%dma_start3A_18 : memref<16x768xf32, #tpu.memory_space<vmem>>) offsets(%dma_start3A_19 : memref<16xi32, #tpu.memory_space<vmem>>) semaphore(%arg8 : memref<!tpu.dma_semaphore, #tpu.memory_space<semaphore_mem>>)
    %multiple_of3A_23 = arith.constant 32 : i32
    %multiple_of3A_24 = tpu.assume_multiple %multiple_of3A_23, 8 : i32
    %dma_start3A_25 = arith.constant 2 : i32
    %dma_start3A_26 = arith.constant 0 : i32
    %dma_start3A_27 = arith.constant 0 : i32
    %dma_start3A_28 = tpu.memref_slice %arg6[%dma_start3A_25, %dma_start3A_26, %dma_start3A_27] : memref<10x16x768xf32, #tpu.memory_space<vmem>> -> memref<1x16x768xf32, #tpu.memory_space<vmem>>
    %dma_start3A_29 = tpu.memref_squeeze %dma_start3A_28 : memref<1x16x768xf32, #tpu.memory_space<vmem>> -> memref<16x768xf32, #tpu.memory_space<vmem>>
    %dma_start3A_30 = tpu.memref_slice %arg5[%multiple_of3A_24] : memref<1600xi32, #tpu.memory_space<vmem>> -> memref<16xi32, #tpu.memory_space<vmem>>
    %dma_start3A_31 = arith.constant 0 : i32
    %dma_start3A_32 = arith.constant 0 : i32
    %dma_start3A_33 = tpu.memref_slice %arg2[%dma_start3A_31, %dma_start3A_32] : memref<100000x768xf32, #tpu.memory_space<hbm>> -> memref<100000x768xf32, #tpu.memory_space<hbm>>
    tpu.enqueue_indirect_dma source(%dma_start3A_33 : memref<100000x768xf32, #tpu.memory_space<hbm>>) target(%dma_start3A_29 : memref<16x768xf32, #tpu.memory_space<vmem>>) offsets(%dma_start3A_30 : memref<16xi32, #tpu.memory_space<vmem>>) semaphore(%arg9 : memref<!tpu.dma_semaphore, #tpu.memory_space<semaphore_mem>>)
    %multiple_of3A_34 = arith.constant 48 : i32
    %multiple_of3A_35 = tpu.assume_multiple %multiple_of3A_34, 8 : i32
    %dma_start3A_36 = arith.constant 3 : i32
    %dma_start3A_37 = arith.constant 0 : i32
    %dma_start3A_38 = arith.constant 0 : i32
    %dma_start3A_39 = tpu.memref_slice %arg6[%dma_start3A_36, %dma_start3A_37, %dma_start3A_38] : memref<10x16x768xf32, #tpu.memory_space<vmem>> -> memref<1x16x768xf32, #tpu.memory_space<vmem>>
    %dma_start3A_40 = tpu.memref_squeeze %dma_start3A_39 : memref<1x16x768xf32, #tpu.memory_space<vmem>> -> memref<16x768xf32, #tpu.memory_space<vmem>>
    %dma_start3A_41 = tpu.memref_slice %arg5[%multiple_of3A_35] : memref<1600xi32, #tpu.memory_space<vmem>> -> memref<16xi32, #tpu.memory_space<vmem>>
    %dma_start3A_42 = arith.constant 0 : i32
    %dma_start3A_43 = arith.constant 0 : i32
    %dma_start3A_44 = tpu.memref_slice %arg2[%dma_start3A_42, %dma_start3A_43] : memref<100000x768xf32, #tpu.memory_space<hbm>> -> memref<100000x768xf32, #tpu.memory_space<hbm>>
    tpu.enqueue_indirect_dma source(%dma_start3A_44 : memref<100000x768xf32, #tpu.memory_space<hbm>>) target(%dma_start3A_40 : memref<16x768xf32, #tpu.memory_space<vmem>>) offsets(%dma_start3A_41 : memref<16xi32, #tpu.memory_space<vmem>>) semaphore(%arg10 : memref<!tpu.dma_semaphore, #tpu.memory_space<semaphore_mem>>)
    %multiple_of3A_45 = arith.constant 64 : i32
    %multiple_of3A_46 = tpu.assume_multiple %multiple_of3A_45, 8 : i32
    %dma_start3A_47 = arith.constant 4 : i32
    %dma_start3A_48 = arith.constant 0 : i32
    %dma_start3A_49 = arith.constant 0 : i32
    %dma_start3A_50 = tpu.memref_slice %arg6[%dma_start3A_47, %dma_start3A_48, %dma_start3A_49] : memref<10x16x768xf32, #tpu.memory_space<vmem>> -> memref<1x16x768xf32, #tpu.memory_space<vmem>>
    %dma_start3A_51 = tpu.memref_squeeze %dma_start3A_50 : memref<1x16x768xf32, #tpu.memory_space<vmem>> -> memref<16x768xf32, #tpu.memory_space<vmem>>
    %dma_start3A_52 = tpu.memref_slice %arg5[%multiple_of3A_46] : memref<1600xi32, #tpu.memory_space<vmem>> -> memref<16xi32, #tpu.memory_space<vmem>>
    %dma_start3A_53 = arith.constant 0 : i32
    %dma_start3A_54 = arith.constant 0 : i32
    %dma_start3A_55 = tpu.memref_slice %arg2[%dma_start3A_53, %dma_start3A_54] : memref<100000x768xf32, #tpu.memory_space<hbm>> -> memref<100000x768xf32, #tpu.memory_space<hbm>>
    tpu.enqueue_indirect_dma source(%dma_start3A_55 : memref<100000x768xf32, #tpu.memory_space<hbm>>) target(%dma_start3A_51 : memref<16x768xf32, #tpu.memory_space<vmem>>) offsets(%dma_start3A_52 : memref<16xi32, #tpu.memory_space<vmem>>) semaphore(%arg11 : memref<!tpu.dma_semaphore, #tpu.memory_space<semaphore_mem>>)
    %multiple_of3A_56 = arith.constant 80 : i32
    %multiple_of3A_57 = tpu.assume_multiple %multiple_of3A_56, 8 : i32
    %dma_start3A_58 = arith.constant 5 : i32
    %dma_start3A_59 = arith.constant 0 : i32
    %dma_start3A_60 = arith.constant 0 : i32
    %dma_start3A_61 = tpu.memref_slice %arg6[%dma_start3A_58, %dma_start3A_59, %dma_start3A_60] : memref<10x16x768xf32, #tpu.memory_space<vmem>> -> memref<1x16x768xf32, #tpu.memory_space<vmem>>
    %dma_start3A_62 = tpu.memref_squeeze %dma_start3A_61 : memref<1x16x768xf32, #tpu.memory_space<vmem>> -> memref<16x768xf32, #tpu.memory_space<vmem>>
    %dma_start3A_63 = tpu.memref_slice %arg5[%multiple_of3A_57] : memref<1600xi32, #tpu.memory_space<vmem>> -> memref<16xi32, #tpu.memory_space<vmem>>
    %dma_start3A_64 = arith.constant 0 : i32
    %dma_start3A_65 = arith.constant 0 : i32
    %dma_start3A_66 = tpu.memref_slice %arg2[%dma_start3A_64, %dma_start3A_65] : memref<100000x768xf32, #tpu.memory_space<hbm>> -> memref<100000x768xf32, #tpu.memory_space<hbm>>
    tpu.enqueue_indirect_dma source(%dma_start3A_66 : memref<100000x768xf32, #tpu.memory_space<hbm>>) target(%dma_start3A_62 : memref<16x768xf32, #tpu.memory_space<vmem>>) offsets(%dma_start3A_63 : memref<16xi32, #tpu.memory_space<vmem>>) semaphore(%arg12 : memref<!tpu.dma_semaphore, #tpu.memory_space<semaphore_mem>>)
    %multiple_of3A_67 = arith.constant 96 : i32
    %multiple_of3A_68 = tpu.assume_multiple %multiple_of3A_67, 8 : i32
    %dma_start3A_69 = arith.constant 6 : i32
    %dma_start3A_70 = arith.constant 0 : i32
    %dma_start3A_71 = arith.constant 0 : i32
    %dma_start3A_72 = tpu.memref_slice %arg6[%dma_start3A_69, %dma_start3A_70, %dma_start3A_71] : memref<10x16x768xf32, #tpu.memory_space<vmem>> -> memref<1x16x768xf32, #tpu.memory_space<vmem>>
    %dma_start3A_73 = tpu.memref_squeeze %dma_start3A_72 : memref<1x16x768xf32, #tpu.memory_space<vmem>> -> memref<16x768xf32, #tpu.memory_space<vmem>>
    %dma_start3A_74 = tpu.memref_slice %arg5[%multiple_of3A_68] : memref<1600xi32, #tpu.memory_space<vmem>> -> memref<16xi32, #tpu.memory_space<vmem>>
    %dma_start3A_75 = arith.constant 0 : i32
    %dma_start3A_76 = arith.constant 0 : i32
    %dma_start3A_77 = tpu.memref_slice %arg2[%dma_start3A_75, %dma_start3A_76] : memref<100000x768xf32, #tpu.memory_space<hbm>> -> memref<100000x768xf32, #tpu.memory_space<hbm>>
    tpu.enqueue_indirect_dma source(%dma_start3A_77 : memref<100000x768xf32, #tpu.memory_space<hbm>>) target(%dma_start3A_73 : memref<16x768xf32, #tpu.memory_space<vmem>>) offsets(%dma_start3A_74 : memref<16xi32, #tpu.memory_space<vmem>>) semaphore(%arg13 : memref<!tpu.dma_semaphore, #tpu.memory_space<semaphore_mem>>)
    %multiple_of3A_78 = arith.constant 112 : i32
    %multiple_of3A_79 = tpu.assume_multiple %multiple_of3A_78, 8 : i32
    %dma_start3A_80 = arith.constant 7 : i32
    %dma_start3A_81 = arith.constant 0 : i32
    %dma_start3A_82 = arith.constant 0 : i32
    %dma_start3A_83 = tpu.memref_slice %arg6[%dma_start3A_80, %dma_start3A_81, %dma_start3A_82] : memref<10x16x768xf32, #tpu.memory_space<vmem>> -> memref<1x16x768xf32, #tpu.memory_space<vmem>>
    %dma_start3A_84 = tpu.memref_squeeze %dma_start3A_83 : memref<1x16x768xf32, #tpu.memory_space<vmem>> -> memref<16x768xf32, #tpu.memory_space<vmem>>
    %dma_start3A_85 = tpu.memref_slice %arg5[%multiple_of3A_79] : memref<1600xi32, #tpu.memory_space<vmem>> -> memref<16xi32, #tpu.memory_space<vmem>>
    %dma_start3A_86 = arith.constant 0 : i32
    %dma_start3A_87 = arith.constant 0 : i32
    %dma_start3A_88 = tpu.memref_slice %arg2[%dma_start3A_86, %dma_start3A_87] : memref<100000x768xf32, #tpu.memory_space<hbm>> -> memref<100000x768xf32, #tpu.memory_space<hbm>>
    tpu.enqueue_indirect_dma source(%dma_start3A_88 : memref<100000x768xf32, #tpu.memory_space<hbm>>) target(%dma_start3A_84 : memref<16x768xf32, #tpu.memory_space<vmem>>) offsets(%dma_start3A_85 : memref<16xi32, #tpu.memory_space<vmem>>) semaphore(%arg14 : memref<!tpu.dma_semaphore, #tpu.memory_space<semaphore_mem>>)
    %multiple_of3A_89 = arith.constant 128 : i32
    %multiple_of3A_90 = tpu.assume_multiple %multiple_of3A_89, 8 : i32
    %dma_start3A_91 = arith.constant 8 : i32
    %dma_start3A_92 = arith.constant 0 : i32
    %dma_start3A_93 = arith.constant 0 : i32
    %dma_start3A_94 = tpu.memref_slice %arg6[%dma_start3A_91, %dma_start3A_92, %dma_start3A_93] : memref<10x16x768xf32, #tpu.memory_space<vmem>> -> memref<1x16x768xf32, #tpu.memory_space<vmem>>
    %dma_start3A_95 = tpu.memref_squeeze %dma_start3A_94 : memref<1x16x768xf32, #tpu.memory_space<vmem>> -> memref<16x768xf32, #tpu.memory_space<vmem>>
    %dma_start3A_96 = tpu.memref_slice %arg5[%multiple_of3A_90] : memref<1600xi32, #tpu.memory_space<vmem>> -> memref<16xi32, #tpu.memory_space<vmem>>
    %dma_start3A_97 = arith.constant 0 : i32
    %dma_start3A_98 = arith.constant 0 : i32
    %dma_start3A_99 = tpu.memref_slice %arg2[%dma_start3A_97, %dma_start3A_98] : memref<100000x768xf32, #tpu.memory_space<hbm>> -> memref<100000x768xf32, #tpu.memory_space<hbm>>
    tpu.enqueue_indirect_dma source(%dma_start3A_99 : memref<100000x768xf32, #tpu.memory_space<hbm>>) target(%dma_start3A_95 : memref<16x768xf32, #tpu.memory_space<vmem>>) offsets(%dma_start3A_96 : memref<16xi32, #tpu.memory_space<vmem>>) semaphore(%arg15 : memref<!tpu.dma_semaphore, #tpu.memory_space<semaphore_mem>>)
    %multiple_of3A_100 = arith.constant 144 : i32
    %multiple_of3A_101 = tpu.assume_multiple %multiple_of3A_100, 8 : i32
    %dma_start3A_102 = arith.constant 9 : i32
    %dma_start3A_103 = arith.constant 0 : i32
    %dma_start3A_104 = arith.constant 0 : i32
    %dma_start3A_105 = tpu.memref_slice %arg6[%dma_start3A_102, %dma_start3A_103, %dma_start3A_104] : memref<10x16x768xf32, #tpu.memory_space<vmem>> -> memref<1x16x768xf32, #tpu.memory_space<vmem>>
    %dma_start3A_106 = tpu.memref_squeeze %dma_start3A_105 : memref<1x16x768xf32, #tpu.memory_space<vmem>> -> memref<16x768xf32, #tpu.memory_space<vmem>>
    %dma_start3A_107 = tpu.memref_slice %arg5[%multiple_of3A_101] : memref<1600xi32, #tpu.memory_space<vmem>> -> memref<16xi32, #tpu.memory_space<vmem>>
    %dma_start3A_108 = arith.constant 0 : i32
    %dma_start3A_109 = arith.constant 0 : i32
    %dma_start3A_110 = tpu.memref_slice %arg2[%dma_start3A_108, %dma_start3A_109] : memref<100000x768xf32, #tpu.memory_space<hbm>> -> memref<100000x768xf32, #tpu.memory_space<hbm>>
    tpu.enqueue_indirect_dma source(%dma_start3A_110 : memref<100000x768xf32, #tpu.memory_space<hbm>>) target(%dma_start3A_106 : memref<16x768xf32, #tpu.memory_space<vmem>>) offsets(%dma_start3A_107 : memref<16xi32, #tpu.memory_space<vmem>>) semaphore(%arg16 : memref<!tpu.dma_semaphore, #tpu.memory_space<semaphore_mem>>)
    %scan3A = arith.constant 0 : i32
    %scan3A_111 = arith.constant 10 : i32
    %scan3A_112 = arith.addi %scan3A, %scan3A_111 : i32
    %scan3A_113 = arith.constant 1 : i32
    scf.for %scan3A_264 = %scan3A to %scan3A_112 step %scan3A_113  : i32 {
      %mul3A_265 = arith.constant 10 : i32
      %mul3A_266 = arith.muli %scan3A_264, %mul3A_265 : i32
      %add3A_267 = arith.constant 0 : i32
      %add3A_268 = arith.addi %add3A_267, %mul3A_266 : i32
      %add3A_269 = arith.constant 0 : i32
      %add3A_270 = arith.addi %add3A_268, %add3A_269 : i32
      %sub3A = arith.constant 1 : i32
      %sub3A_271 = arith.subi %add3A_270, %sub3A : i32
      %add3A_272 = arith.constant 10 : i32
      %add3A_273 = arith.addi %sub3A_271, %add3A_272 : i32
      %ge3A = arith.constant 10 : i32
      %ge3A_274 = arith.cmpi sge, %add3A_273, %ge3A : i32
      %lt3A = arith.constant 100 : i32
      %lt3A_275 = arith.cmpi slt, %add3A_273, %lt3A : i32
      %and3A = arith.andi %ge3A_274, %lt3A_275 : i1
      %convert_element_type3A = arith.extui %and3A : i1 to i32
      %cond3A = arith.constant 0 : i32
      %cond3A_276 = arith.cmpi ne, %convert_element_type3A, %cond3A : i32
      scf.if %cond3A_276 {
        %sub3A_683 = arith.constant 10 : i32
        %sub3A_684 = arith.subi %add3A_273, %sub3A_683 : i32
        %mul3A_685 = arith.constant 16 : i32
        %mul3A_686 = arith.muli %sub3A_684, %mul3A_685 : i32
        %add3A_687 = arith.addi %mul3A_2, %mul3A_686 : i32
        %dma_wait3A_688 = arith.constant 9 : i32
        %dma_wait3A_689 = arith.constant 0 : i32
        %dma_wait3A_690 = arith.constant 0 : i32
        %dma_wait3A_691 = tpu.memref_slice %arg6[%dma_wait3A_688, %dma_wait3A_689, %dma_wait3A_690] : memref<10x16x768xf32, #tpu.memory_space<vmem>> -> memref<1x16x768xf32, #tpu.memory_space<vmem>>
        %dma_wait3A_692 = tpu.memref_squeeze %dma_wait3A_691 : memref<1x16x768xf32, #tpu.memory_space<vmem>> -> memref<16x768xf32, #tpu.memory_space<vmem>>
        %dma_wait3A_693 = arith.constant 0 : i32
        %dma_wait3A_694 = tpu.memref_slice %arg4[%add3A_687, %dma_wait3A_693] : memref<51200x768xf32, #tpu.memory_space<hbm>> -> memref<16x768xf32, #tpu.memory_space<hbm>>
        %dma_wait3A_695 = arith.constant 0 : i32
        %dma_wait3A_696 = tpu.memref_slice %arg4[%add3A_687, %dma_wait3A_695] : memref<51200x768xf32, #tpu.memory_space<hbm>> -> memref<16x768xf32, #tpu.memory_space<hbm>>
        %dma_wait3A_697 = arith.constant 0 : i32
        %dma_wait3A_698 = arith.constant 0 : i32
        %dma_wait3A_699 = tpu.memref_slice %arg6[%dma_wait3A_688, %dma_wait3A_697, %dma_wait3A_698] : memref<10x16x768xf32, #tpu.memory_space<vmem>> -> memref<1x16x768xf32, #tpu.memory_space<vmem>>
        %dma_wait3A_700 = tpu.memref_squeeze %dma_wait3A_699 : memref<1x16x768xf32, #tpu.memory_space<vmem>> -> memref<16x768xf32, #tpu.memory_space<vmem>>
        tpu.wait_dma2 semaphore(%arg26 : memref<!tpu.dma_semaphore, #tpu.memory_space<semaphore_mem>>) src(%dma_wait3A_700 : memref<16x768xf32, #tpu.memory_space<vmem>>) dst(%dma_wait3A_696 : memref<16x768xf32, #tpu.memory_space<hbm>>)
        %mul3A_701 = arith.constant 16 : i32
        %mul3A_702 = arith.muli %add3A_273, %mul3A_701 : i32
        %multiple_of3A_703 = tpu.assume_multiple %mul3A_702, 8 : i32
        %dma_start3A_704 = arith.constant 9 : i32
        %dma_start3A_705 = arith.constant 0 : i32
        %dma_start3A_706 = arith.constant 0 : i32
        %dma_start3A_707 = tpu.memref_slice %arg6[%dma_start3A_704, %dma_start3A_705, %dma_start3A_706] : memref<10x16x768xf32, #tpu.memory_space<vmem>> -> memref<1x16x768xf32, #tpu.memory_space<vmem>>
        %dma_start3A_708 = tpu.memref_squeeze %dma_start3A_707 : memref<1x16x768xf32, #tpu.memory_space<vmem>> -> memref<16x768xf32, #tpu.memory_space<vmem>>
        %dma_start3A_709 = tpu.memref_slice %arg5[%multiple_of3A_703] : memref<1600xi32, #tpu.memory_space<vmem>> -> memref<16xi32, #tpu.memory_space<vmem>>
        %dma_start3A_710 = arith.constant 0 : i32
        %dma_start3A_711 = arith.constant 0 : i32
        %dma_start3A_712 = tpu.memref_slice %arg2[%dma_start3A_710, %dma_start3A_711] : memref<100000x768xf32, #tpu.memory_space<hbm>> -> memref<100000x768xf32, #tpu.memory_space<hbm>>
        tpu.enqueue_indirect_dma source(%dma_start3A_712 : memref<100000x768xf32, #tpu.memory_space<hbm>>) target(%dma_start3A_708 : memref<16x768xf32, #tpu.memory_space<vmem>>) offsets(%dma_start3A_709 : memref<16xi32, #tpu.memory_space<vmem>>) semaphore(%arg16 : memref<!tpu.dma_semaphore, #tpu.memory_space<semaphore_mem>>)
      } else {
      }
      %mul3A_277 = arith.constant 16 : i32
      %mul3A_278 = arith.muli %add3A_270, %mul3A_277 : i32
      %multiple_of3A_279 = tpu.assume_multiple %mul3A_278, 8 : i32
      %dma_wait3A_280 = arith.constant 0 : i32
      %dma_wait3A_281 = arith.constant 0 : i32
      %dma_wait3A_282 = arith.constant 0 : i32
      %dma_wait3A_283 = tpu.memref_slice %arg6[%dma_wait3A_280, %dma_wait3A_281, %dma_wait3A_282] : memref<10x16x768xf32, #tpu.memory_space<vmem>> -> memref<1x16x768xf32, #tpu.memory_space<vmem>>
      %dma_wait3A_284 = tpu.memref_squeeze %dma_wait3A_283 : memref<1x16x768xf32, #tpu.memory_space<vmem>> -> memref<16x768xf32, #tpu.memory_space<vmem>>
      %dma_wait3A_285 = tpu.memref_slice %arg5[%multiple_of3A_279] : memref<1600xi32, #tpu.memory_space<vmem>> -> memref<16xi32, #tpu.memory_space<vmem>>
      %dma_wait3A_286 = arith.constant 0 : i32
      %dma_wait3A_287 = arith.constant 0 : i32
      %dma_wait3A_288 = tpu.memref_slice %arg2[%dma_wait3A_286, %dma_wait3A_287] : memref<100000x768xf32, #tpu.memory_space<hbm>> -> memref<100000x768xf32, #tpu.memory_space<hbm>>
      tpu.wait_indirect_dma semaphore(%arg7 : memref<!tpu.dma_semaphore, #tpu.memory_space<semaphore_mem>>) src(%dma_wait3A_288 : memref<100000x768xf32, #tpu.memory_space<hbm>>) dst(%dma_wait3A_284 : memref<16x768xf32, #tpu.memory_space<vmem>>)
      %mul3A_289 = arith.constant 16 : i32
      %mul3A_290 = arith.muli %add3A_270, %mul3A_289 : i32
      %add3A_291 = arith.addi %mul3A_2, %mul3A_290 : i32
      %dma_start3A_292 = arith.constant 0 : i32
      %dma_start3A_293 = arith.constant 0 : i32
      %dma_start3A_294 = arith.constant 0 : i32
      %dma_start3A_295 = tpu.memref_slice %arg6[%dma_start3A_292, %dma_start3A_293, %dma_start3A_294] : memref<10x16x768xf32, #tpu.memory_space<vmem>> -> memref<1x16x768xf32, #tpu.memory_space<vmem>>
      %dma_start3A_296 = tpu.memref_squeeze %dma_start3A_295 : memref<1x16x768xf32, #tpu.memory_space<vmem>> -> memref<16x768xf32, #tpu.memory_space<vmem>>
      %dma_start3A_297 = arith.constant 0 : i32
      %dma_start3A_298 = tpu.memref_slice %arg4[%add3A_291, %dma_start3A_297] : memref<51200x768xf32, #tpu.memory_space<hbm>> -> memref<16x768xf32, #tpu.memory_space<hbm>>
      %dma_start3A_299 = arith.constant 0 : i32
      %dma_start3A_300 = tpu.memref_slice %arg4[%add3A_291, %dma_start3A_299] : memref<51200x768xf32, #tpu.memory_space<hbm>> -> memref<16x768xf32, #tpu.memory_space<hbm>>
      %dma_start3A_301 = arith.constant 0 : i32
      %dma_start3A_302 = arith.constant 0 : i32
      %dma_start3A_303 = tpu.memref_slice %arg6[%dma_start3A_292, %dma_start3A_301, %dma_start3A_302] : memref<10x16x768xf32, #tpu.memory_space<vmem>> -> memref<1x16x768xf32, #tpu.memory_space<vmem>>
      %dma_start3A_304 = tpu.memref_squeeze %dma_start3A_303 : memref<1x16x768xf32, #tpu.memory_space<vmem>> -> memref<16x768xf32, #tpu.memory_space<vmem>>
      tpu.enqueue_dma source(%dma_start3A_304 : memref<16x768xf32, #tpu.memory_space<vmem>>) target(%dma_start3A_300 : memref<16x768xf32, #tpu.memory_space<hbm>>) target_semaphore(%arg17 : memref<!tpu.dma_semaphore, #tpu.memory_space<semaphore_mem>>)
      %add3A_305 = arith.constant 1 : i32
      %add3A_306 = arith.addi %add3A_268, %add3A_305 : i32
      %sub3A_307 = arith.constant 1 : i32
      %sub3A_308 = arith.subi %add3A_306, %sub3A_307 : i32
      %add3A_309 = arith.constant 10 : i32
      %add3A_310 = arith.addi %sub3A_308, %add3A_309 : i32
      %ge3A_311 = arith.constant 10 : i32
      %ge3A_312 = arith.cmpi sge, %add3A_310, %ge3A_311 : i32
      %lt3A_313 = arith.constant 100 : i32
      %lt3A_314 = arith.cmpi slt, %add3A_310, %lt3A_313 : i32
      %and3A_315 = arith.andi %ge3A_312, %lt3A_314 : i1
      %convert_element_type3A_316 = arith.extui %and3A_315 : i1 to i32
      %cond3A_317 = arith.constant 0 : i32
      %cond3A_318 = arith.cmpi ne, %convert_element_type3A_316, %cond3A_317 : i32
      scf.if %cond3A_318 {
        %sub3A_683 = arith.constant 10 : i32
        %sub3A_684 = arith.subi %add3A_310, %sub3A_683 : i32
        %mul3A_685 = arith.constant 16 : i32
        %mul3A_686 = arith.muli %sub3A_684, %mul3A_685 : i32
        %add3A_687 = arith.addi %mul3A_2, %mul3A_686 : i32
        %dma_wait3A_688 = arith.constant 0 : i32
        %dma_wait3A_689 = arith.constant 0 : i32
        %dma_wait3A_690 = arith.constant 0 : i32
        %dma_wait3A_691 = tpu.memref_slice %arg6[%dma_wait3A_688, %dma_wait3A_689, %dma_wait3A_690] : memref<10x16x768xf32, #tpu.memory_space<vmem>> -> memref<1x16x768xf32, #tpu.memory_space<vmem>>
        %dma_wait3A_692 = tpu.memref_squeeze %dma_wait3A_691 : memref<1x16x768xf32, #tpu.memory_space<vmem>> -> memref<16x768xf32, #tpu.memory_space<vmem>>
        %dma_wait3A_693 = arith.constant 0 : i32
        %dma_wait3A_694 = tpu.memref_slice %arg4[%add3A_687, %dma_wait3A_693] : memref<51200x768xf32, #tpu.memory_space<hbm>> -> memref<16x768xf32, #tpu.memory_space<hbm>>
        %dma_wait3A_695 = arith.constant 0 : i32
        %dma_wait3A_696 = tpu.memref_slice %arg4[%add3A_687, %dma_wait3A_695] : memref<51200x768xf32, #tpu.memory_space<hbm>> -> memref<16x768xf32, #tpu.memory_space<hbm>>
        %dma_wait3A_697 = arith.constant 0 : i32
        %dma_wait3A_698 = arith.constant 0 : i32
        %dma_wait3A_699 = tpu.memref_slice %arg6[%dma_wait3A_688, %dma_wait3A_697, %dma_wait3A_698] : memref<10x16x768xf32, #tpu.memory_space<vmem>> -> memref<1x16x768xf32, #tpu.memory_space<vmem>>
        %dma_wait3A_700 = tpu.memref_squeeze %dma_wait3A_699 : memref<1x16x768xf32, #tpu.memory_space<vmem>> -> memref<16x768xf32, #tpu.memory_space<vmem>>
        tpu.wait_dma2 semaphore(%arg17 : memref<!tpu.dma_semaphore, #tpu.memory_space<semaphore_mem>>) src(%dma_wait3A_700 : memref<16x768xf32, #tpu.memory_space<vmem>>) dst(%dma_wait3A_696 : memref<16x768xf32, #tpu.memory_space<hbm>>)
        %mul3A_701 = arith.constant 16 : i32
        %mul3A_702 = arith.muli %add3A_310, %mul3A_701 : i32
        %multiple_of3A_703 = tpu.assume_multiple %mul3A_702, 8 : i32
        %dma_start3A_704 = arith.constant 0 : i32
        %dma_start3A_705 = arith.constant 0 : i32
        %dma_start3A_706 = arith.constant 0 : i32
        %dma_start3A_707 = tpu.memref_slice %arg6[%dma_start3A_704, %dma_start3A_705, %dma_start3A_706] : memref<10x16x768xf32, #tpu.memory_space<vmem>> -> memref<1x16x768xf32, #tpu.memory_space<vmem>>
        %dma_start3A_708 = tpu.memref_squeeze %dma_start3A_707 : memref<1x16x768xf32, #tpu.memory_space<vmem>> -> memref<16x768xf32, #tpu.memory_space<vmem>>
        %dma_start3A_709 = tpu.memref_slice %arg5[%multiple_of3A_703] : memref<1600xi32, #tpu.memory_space<vmem>> -> memref<16xi32, #tpu.memory_space<vmem>>
        %dma_start3A_710 = arith.constant 0 : i32
        %dma_start3A_711 = arith.constant 0 : i32
        %dma_start3A_712 = tpu.memref_slice %arg2[%dma_start3A_710, %dma_start3A_711] : memref<100000x768xf32, #tpu.memory_space<hbm>> -> memref<100000x768xf32, #tpu.memory_space<hbm>>
        tpu.enqueue_indirect_dma source(%dma_start3A_712 : memref<100000x768xf32, #tpu.memory_space<hbm>>) target(%dma_start3A_708 : memref<16x768xf32, #tpu.memory_space<vmem>>) offsets(%dma_start3A_709 : memref<16xi32, #tpu.memory_space<vmem>>) semaphore(%arg7 : memref<!tpu.dma_semaphore, #tpu.memory_space<semaphore_mem>>)
      } else {
      }
      %mul3A_319 = arith.constant 16 : i32
      %mul3A_320 = arith.muli %add3A_306, %mul3A_319 : i32
      %multiple_of3A_321 = tpu.assume_multiple %mul3A_320, 8 : i32
      %dma_wait3A_322 = arith.constant 1 : i32
      %dma_wait3A_323 = arith.constant 0 : i32
      %dma_wait3A_324 = arith.constant 0 : i32
      %dma_wait3A_325 = tpu.memref_slice %arg6[%dma_wait3A_322, %dma_wait3A_323, %dma_wait3A_324] : memref<10x16x768xf32, #tpu.memory_space<vmem>> -> memref<1x16x768xf32, #tpu.memory_space<vmem>>
      %dma_wait3A_326 = tpu.memref_squeeze %dma_wait3A_325 : memref<1x16x768xf32, #tpu.memory_space<vmem>> -> memref<16x768xf32, #tpu.memory_space<vmem>>
      %dma_wait3A_327 = tpu.memref_slice %arg5[%multiple_of3A_321] : memref<1600xi32, #tpu.memory_space<vmem>> -> memref<16xi32, #tpu.memory_space<vmem>>
      %dma_wait3A_328 = arith.constant 0 : i32
      %dma_wait3A_329 = arith.constant 0 : i32
      %dma_wait3A_330 = tpu.memref_slice %arg2[%dma_wait3A_328, %dma_wait3A_329] : memref<100000x768xf32, #tpu.memory_space<hbm>> -> memref<100000x768xf32, #tpu.memory_space<hbm>>
      tpu.wait_indirect_dma semaphore(%arg8 : memref<!tpu.dma_semaphore, #tpu.memory_space<semaphore_mem>>) src(%dma_wait3A_330 : memref<100000x768xf32, #tpu.memory_space<hbm>>) dst(%dma_wait3A_326 : memref<16x768xf32, #tpu.memory_space<vmem>>)
      %mul3A_331 = arith.constant 16 : i32
      %mul3A_332 = arith.muli %add3A_306, %mul3A_331 : i32
      %add3A_333 = arith.addi %mul3A_2, %mul3A_332 : i32
      %dma_start3A_334 = arith.constant 1 : i32
      %dma_start3A_335 = arith.constant 0 : i32
      %dma_start3A_336 = arith.constant 0 : i32
      %dma_start3A_337 = tpu.memref_slice %arg6[%dma_start3A_334, %dma_start3A_335, %dma_start3A_336] : memref<10x16x768xf32, #tpu.memory_space<vmem>> -> memref<1x16x768xf32, #tpu.memory_space<vmem>>
      %dma_start3A_338 = tpu.memref_squeeze %dma_start3A_337 : memref<1x16x768xf32, #tpu.memory_space<vmem>> -> memref<16x768xf32, #tpu.memory_space<vmem>>
      %dma_start3A_339 = arith.constant 0 : i32
      %dma_start3A_340 = tpu.memref_slice %arg4[%add3A_333, %dma_start3A_339] : memref<51200x768xf32, #tpu.memory_space<hbm>> -> memref<16x768xf32, #tpu.memory_space<hbm>>
      %dma_start3A_341 = arith.constant 0 : i32
      %dma_start3A_342 = tpu.memref_slice %arg4[%add3A_333, %dma_start3A_341] : memref<51200x768xf32, #tpu.memory_space<hbm>> -> memref<16x768xf32, #tpu.memory_space<hbm>>
      %dma_start3A_343 = arith.constant 0 : i32
      %dma_start3A_344 = arith.constant 0 : i32
      %dma_start3A_345 = tpu.memref_slice %arg6[%dma_start3A_334, %dma_start3A_343, %dma_start3A_344] : memref<10x16x768xf32, #tpu.memory_space<vmem>> -> memref<1x16x768xf32, #tpu.memory_space<vmem>>
      %dma_start3A_346 = tpu.memref_squeeze %dma_start3A_345 : memref<1x16x768xf32, #tpu.memory_space<vmem>> -> memref<16x768xf32, #tpu.memory_space<vmem>>
      tpu.enqueue_dma source(%dma_start3A_346 : memref<16x768xf32, #tpu.memory_space<vmem>>) target(%dma_start3A_342 : memref<16x768xf32, #tpu.memory_space<hbm>>) target_semaphore(%arg18 : memref<!tpu.dma_semaphore, #tpu.memory_space<semaphore_mem>>)
      %add3A_347 = arith.constant 2 : i32
      %add3A_348 = arith.addi %add3A_268, %add3A_347 : i32
      %sub3A_349 = arith.constant 1 : i32
      %sub3A_350 = arith.subi %add3A_348, %sub3A_349 : i32
      %add3A_351 = arith.constant 10 : i32
      %add3A_352 = arith.addi %sub3A_350, %add3A_351 : i32
      %ge3A_353 = arith.constant 10 : i32
      %ge3A_354 = arith.cmpi sge, %add3A_352, %ge3A_353 : i32
      %lt3A_355 = arith.constant 100 : i32
      %lt3A_356 = arith.cmpi slt, %add3A_352, %lt3A_355 : i32
      %and3A_357 = arith.andi %ge3A_354, %lt3A_356 : i1
      %convert_element_type3A_358 = arith.extui %and3A_357 : i1 to i32
      %cond3A_359 = arith.constant 0 : i32
      %cond3A_360 = arith.cmpi ne, %convert_element_type3A_358, %cond3A_359 : i32
      scf.if %cond3A_360 {
        %sub3A_683 = arith.constant 10 : i32
        %sub3A_684 = arith.subi %add3A_352, %sub3A_683 : i32
        %mul3A_685 = arith.constant 16 : i32
        %mul3A_686 = arith.muli %sub3A_684, %mul3A_685 : i32
        %add3A_687 = arith.addi %mul3A_2, %mul3A_686 : i32
        %dma_wait3A_688 = arith.constant 1 : i32
        %dma_wait3A_689 = arith.constant 0 : i32
        %dma_wait3A_690 = arith.constant 0 : i32
        %dma_wait3A_691 = tpu.memref_slice %arg6[%dma_wait3A_688, %dma_wait3A_689, %dma_wait3A_690] : memref<10x16x768xf32, #tpu.memory_space<vmem>> -> memref<1x16x768xf32, #tpu.memory_space<vmem>>
        %dma_wait3A_692 = tpu.memref_squeeze %dma_wait3A_691 : memref<1x16x768xf32, #tpu.memory_space<vmem>> -> memref<16x768xf32, #tpu.memory_space<vmem>>
        %dma_wait3A_693 = arith.constant 0 : i32
        %dma_wait3A_694 = tpu.memref_slice %arg4[%add3A_687, %dma_wait3A_693] : memref<51200x768xf32, #tpu.memory_space<hbm>> -> memref<16x768xf32, #tpu.memory_space<hbm>>
        %dma_wait3A_695 = arith.constant 0 : i32
        %dma_wait3A_696 = tpu.memref_slice %arg4[%add3A_687, %dma_wait3A_695] : memref<51200x768xf32, #tpu.memory_space<hbm>> -> memref<16x768xf32, #tpu.memory_space<hbm>>
        %dma_wait3A_697 = arith.constant 0 : i32
        %dma_wait3A_698 = arith.constant 0 : i32
        %dma_wait3A_699 = tpu.memref_slice %arg6[%dma_wait3A_688, %dma_wait3A_697, %dma_wait3A_698] : memref<10x16x768xf32, #tpu.memory_space<vmem>> -> memref<1x16x768xf32, #tpu.memory_space<vmem>>
        %dma_wait3A_700 = tpu.memref_squeeze %dma_wait3A_699 : memref<1x16x768xf32, #tpu.memory_space<vmem>> -> memref<16x768xf32, #tpu.memory_space<vmem>>
        tpu.wait_dma2 semaphore(%arg18 : memref<!tpu.dma_semaphore, #tpu.memory_space<semaphore_mem>>) src(%dma_wait3A_700 : memref<16x768xf32, #tpu.memory_space<vmem>>) dst(%dma_wait3A_696 : memref<16x768xf32, #tpu.memory_space<hbm>>)
        %mul3A_701 = arith.constant 16 : i32
        %mul3A_702 = arith.muli %add3A_352, %mul3A_701 : i32
        %multiple_of3A_703 = tpu.assume_multiple %mul3A_702, 8 : i32
        %dma_start3A_704 = arith.constant 1 : i32
        %dma_start3A_705 = arith.constant 0 : i32
        %dma_start3A_706 = arith.constant 0 : i32
        %dma_start3A_707 = tpu.memref_slice %arg6[%dma_start3A_704, %dma_start3A_705, %dma_start3A_706] : memref<10x16x768xf32, #tpu.memory_space<vmem>> -> memref<1x16x768xf32, #tpu.memory_space<vmem>>
        %dma_start3A_708 = tpu.memref_squeeze %dma_start3A_707 : memref<1x16x768xf32, #tpu.memory_space<vmem>> -> memref<16x768xf32, #tpu.memory_space<vmem>>
        %dma_start3A_709 = tpu.memref_slice %arg5[%multiple_of3A_703] : memref<1600xi32, #tpu.memory_space<vmem>> -> memref<16xi32, #tpu.memory_space<vmem>>
        %dma_start3A_710 = arith.constant 0 : i32
        %dma_start3A_711 = arith.constant 0 : i32
        %dma_start3A_712 = tpu.memref_slice %arg2[%dma_start3A_710, %dma_start3A_711] : memref<100000x768xf32, #tpu.memory_space<hbm>> -> memref<100000x768xf32, #tpu.memory_space<hbm>>
        tpu.enqueue_indirect_dma source(%dma_start3A_712 : memref<100000x768xf32, #tpu.memory_space<hbm>>) target(%dma_start3A_708 : memref<16x768xf32, #tpu.memory_space<vmem>>) offsets(%dma_start3A_709 : memref<16xi32, #tpu.memory_space<vmem>>) semaphore(%arg8 : memref<!tpu.dma_semaphore, #tpu.memory_space<semaphore_mem>>)
      } else {
      }
      %mul3A_361 = arith.constant 16 : i32
      %mul3A_362 = arith.muli %add3A_348, %mul3A_361 : i32
      %multiple_of3A_363 = tpu.assume_multiple %mul3A_362, 8 : i32
      %dma_wait3A_364 = arith.constant 2 : i32
      %dma_wait3A_365 = arith.constant 0 : i32
      %dma_wait3A_366 = arith.constant 0 : i32
      %dma_wait3A_367 = tpu.memref_slice %arg6[%dma_wait3A_364, %dma_wait3A_365, %dma_wait3A_366] : memref<10x16x768xf32, #tpu.memory_space<vmem>> -> memref<1x16x768xf32, #tpu.memory_space<vmem>>
      %dma_wait3A_368 = tpu.memref_squeeze %dma_wait3A_367 : memref<1x16x768xf32, #tpu.memory_space<vmem>> -> memref<16x768xf32, #tpu.memory_space<vmem>>
      %dma_wait3A_369 = tpu.memref_slice %arg5[%multiple_of3A_363] : memref<1600xi32, #tpu.memory_space<vmem>> -> memref<16xi32, #tpu.memory_space<vmem>>
      %dma_wait3A_370 = arith.constant 0 : i32
      %dma_wait3A_371 = arith.constant 0 : i32
      %dma_wait3A_372 = tpu.memref_slice %arg2[%dma_wait3A_370, %dma_wait3A_371] : memref<100000x768xf32, #tpu.memory_space<hbm>> -> memref<100000x768xf32, #tpu.memory_space<hbm>>
      tpu.wait_indirect_dma semaphore(%arg9 : memref<!tpu.dma_semaphore, #tpu.memory_space<semaphore_mem>>) src(%dma_wait3A_372 : memref<100000x768xf32, #tpu.memory_space<hbm>>) dst(%dma_wait3A_368 : memref<16x768xf32, #tpu.memory_space<vmem>>)
      %mul3A_373 = arith.constant 16 : i32
      %mul3A_374 = arith.muli %add3A_348, %mul3A_373 : i32
      %add3A_375 = arith.addi %mul3A_2, %mul3A_374 : i32
      %dma_start3A_376 = arith.constant 2 : i32
      %dma_start3A_377 = arith.constant 0 : i32
      %dma_start3A_378 = arith.constant 0 : i32
      %dma_start3A_379 = tpu.memref_slice %arg6[%dma_start3A_376, %dma_start3A_377, %dma_start3A_378] : memref<10x16x768xf32, #tpu.memory_space<vmem>> -> memref<1x16x768xf32, #tpu.memory_space<vmem>>
      %dma_start3A_380 = tpu.memref_squeeze %dma_start3A_379 : memref<1x16x768xf32, #tpu.memory_space<vmem>> -> memref<16x768xf32, #tpu.memory_space<vmem>>
      %dma_start3A_381 = arith.constant 0 : i32
      %dma_start3A_382 = tpu.memref_slice %arg4[%add3A_375, %dma_start3A_381] : memref<51200x768xf32, #tpu.memory_space<hbm>> -> memref<16x768xf32, #tpu.memory_space<hbm>>
      %dma_start3A_383 = arith.constant 0 : i32
      %dma_start3A_384 = tpu.memref_slice %arg4[%add3A_375, %dma_start3A_383] : memref<51200x768xf32, #tpu.memory_space<hbm>> -> memref<16x768xf32, #tpu.memory_space<hbm>>
      %dma_start3A_385 = arith.constant 0 : i32
      %dma_start3A_386 = arith.constant 0 : i32
      %dma_start3A_387 = tpu.memref_slice %arg6[%dma_start3A_376, %dma_start3A_385, %dma_start3A_386] : memref<10x16x768xf32, #tpu.memory_space<vmem>> -> memref<1x16x768xf32, #tpu.memory_space<vmem>>
      %dma_start3A_388 = tpu.memref_squeeze %dma_start3A_387 : memref<1x16x768xf32, #tpu.memory_space<vmem>> -> memref<16x768xf32, #tpu.memory_space<vmem>>
      tpu.enqueue_dma source(%dma_start3A_388 : memref<16x768xf32, #tpu.memory_space<vmem>>) target(%dma_start3A_384 : memref<16x768xf32, #tpu.memory_space<hbm>>) target_semaphore(%arg19 : memref<!tpu.dma_semaphore, #tpu.memory_space<semaphore_mem>>)
      %add3A_389 = arith.constant 3 : i32
      %add3A_390 = arith.addi %add3A_268, %add3A_389 : i32
      %sub3A_391 = arith.constant 1 : i32
      %sub3A_392 = arith.subi %add3A_390, %sub3A_391 : i32
      %add3A_393 = arith.constant 10 : i32
      %add3A_394 = arith.addi %sub3A_392, %add3A_393 : i32
      %ge3A_395 = arith.constant 10 : i32
      %ge3A_396 = arith.cmpi sge, %add3A_394, %ge3A_395 : i32
      %lt3A_397 = arith.constant 100 : i32
      %lt3A_398 = arith.cmpi slt, %add3A_394, %lt3A_397 : i32
      %and3A_399 = arith.andi %ge3A_396, %lt3A_398 : i1
      %convert_element_type3A_400 = arith.extui %and3A_399 : i1 to i32
      %cond3A_401 = arith.constant 0 : i32
      %cond3A_402 = arith.cmpi ne, %convert_element_type3A_400, %cond3A_401 : i32
      scf.if %cond3A_402 {
        %sub3A_683 = arith.constant 10 : i32
        %sub3A_684 = arith.subi %add3A_394, %sub3A_683 : i32
        %mul3A_685 = arith.constant 16 : i32
        %mul3A_686 = arith.muli %sub3A_684, %mul3A_685 : i32
        %add3A_687 = arith.addi %mul3A_2, %mul3A_686 : i32
        %dma_wait3A_688 = arith.constant 2 : i32
        %dma_wait3A_689 = arith.constant 0 : i32
        %dma_wait3A_690 = arith.constant 0 : i32
        %dma_wait3A_691 = tpu.memref_slice %arg6[%dma_wait3A_688, %dma_wait3A_689, %dma_wait3A_690] : memref<10x16x768xf32, #tpu.memory_space<vmem>> -> memref<1x16x768xf32, #tpu.memory_space<vmem>>
        %dma_wait3A_692 = tpu.memref_squeeze %dma_wait3A_691 : memref<1x16x768xf32, #tpu.memory_space<vmem>> -> memref<16x768xf32, #tpu.memory_space<vmem>>
        %dma_wait3A_693 = arith.constant 0 : i32
        %dma_wait3A_694 = tpu.memref_slice %arg4[%add3A_687, %dma_wait3A_693] : memref<51200x768xf32, #tpu.memory_space<hbm>> -> memref<16x768xf32, #tpu.memory_space<hbm>>
        %dma_wait3A_695 = arith.constant 0 : i32
        %dma_wait3A_696 = tpu.memref_slice %arg4[%add3A_687, %dma_wait3A_695] : memref<51200x768xf32, #tpu.memory_space<hbm>> -> memref<16x768xf32, #tpu.memory_space<hbm>>
        %dma_wait3A_697 = arith.constant 0 : i32
        %dma_wait3A_698 = arith.constant 0 : i32
        %dma_wait3A_699 = tpu.memref_slice %arg6[%dma_wait3A_688, %dma_wait3A_697, %dma_wait3A_698] : memref<10x16x768xf32, #tpu.memory_space<vmem>> -> memref<1x16x768xf32, #tpu.memory_space<vmem>>
        %dma_wait3A_700 = tpu.memref_squeeze %dma_wait3A_699 : memref<1x16x768xf32, #tpu.memory_space<vmem>> -> memref<16x768xf32, #tpu.memory_space<vmem>>
        tpu.wait_dma2 semaphore(%arg19 : memref<!tpu.dma_semaphore, #tpu.memory_space<semaphore_mem>>) src(%dma_wait3A_700 : memref<16x768xf32, #tpu.memory_space<vmem>>) dst(%dma_wait3A_696 : memref<16x768xf32, #tpu.memory_space<hbm>>)
        %mul3A_701 = arith.constant 16 : i32
        %mul3A_702 = arith.muli %add3A_394, %mul3A_701 : i32
        %multiple_of3A_703 = tpu.assume_multiple %mul3A_702, 8 : i32
        %dma_start3A_704 = arith.constant 2 : i32
        %dma_start3A_705 = arith.constant 0 : i32
        %dma_start3A_706 = arith.constant 0 : i32
        %dma_start3A_707 = tpu.memref_slice %arg6[%dma_start3A_704, %dma_start3A_705, %dma_start3A_706] : memref<10x16x768xf32, #tpu.memory_space<vmem>> -> memref<1x16x768xf32, #tpu.memory_space<vmem>>
        %dma_start3A_708 = tpu.memref_squeeze %dma_start3A_707 : memref<1x16x768xf32, #tpu.memory_space<vmem>> -> memref<16x768xf32, #tpu.memory_space<vmem>>
        %dma_start3A_709 = tpu.memref_slice %arg5[%multiple_of3A_703] : memref<1600xi32, #tpu.memory_space<vmem>> -> memref<16xi32, #tpu.memory_space<vmem>>
        %dma_start3A_710 = arith.constant 0 : i32
        %dma_start3A_711 = arith.constant 0 : i32
        %dma_start3A_712 = tpu.memref_slice %arg2[%dma_start3A_710, %dma_start3A_711] : memref<100000x768xf32, #tpu.memory_space<hbm>> -> memref<100000x768xf32, #tpu.memory_space<hbm>>
        tpu.enqueue_indirect_dma source(%dma_start3A_712 : memref<100000x768xf32, #tpu.memory_space<hbm>>) target(%dma_start3A_708 : memref<16x768xf32, #tpu.memory_space<vmem>>) offsets(%dma_start3A_709 : memref<16xi32, #tpu.memory_space<vmem>>) semaphore(%arg9 : memref<!tpu.dma_semaphore, #tpu.memory_space<semaphore_mem>>)
      } else {
      }
      %mul3A_403 = arith.constant 16 : i32
      %mul3A_404 = arith.muli %add3A_390, %mul3A_403 : i32
      %multiple_of3A_405 = tpu.assume_multiple %mul3A_404, 8 : i32
      %dma_wait3A_406 = arith.constant 3 : i32
      %dma_wait3A_407 = arith.constant 0 : i32
      %dma_wait3A_408 = arith.constant 0 : i32
      %dma_wait3A_409 = tpu.memref_slice %arg6[%dma_wait3A_406, %dma_wait3A_407, %dma_wait3A_408] : memref<10x16x768xf32, #tpu.memory_space<vmem>> -> memref<1x16x768xf32, #tpu.memory_space<vmem>>
      %dma_wait3A_410 = tpu.memref_squeeze %dma_wait3A_409 : memref<1x16x768xf32, #tpu.memory_space<vmem>> -> memref<16x768xf32, #tpu.memory_space<vmem>>
      %dma_wait3A_411 = tpu.memref_slice %arg5[%multiple_of3A_405] : memref<1600xi32, #tpu.memory_space<vmem>> -> memref<16xi32, #tpu.memory_space<vmem>>
      %dma_wait3A_412 = arith.constant 0 : i32
      %dma_wait3A_413 = arith.constant 0 : i32
      %dma_wait3A_414 = tpu.memref_slice %arg2[%dma_wait3A_412, %dma_wait3A_413] : memref<100000x768xf32, #tpu.memory_space<hbm>> -> memref<100000x768xf32, #tpu.memory_space<hbm>>
      tpu.wait_indirect_dma semaphore(%arg10 : memref<!tpu.dma_semaphore, #tpu.memory_space<semaphore_mem>>) src(%dma_wait3A_414 : memref<100000x768xf32, #tpu.memory_space<hbm>>) dst(%dma_wait3A_410 : memref<16x768xf32, #tpu.memory_space<vmem>>)
      %mul3A_415 = arith.constant 16 : i32
      %mul3A_416 = arith.muli %add3A_390, %mul3A_415 : i32
      %add3A_417 = arith.addi %mul3A_2, %mul3A_416 : i32
      %dma_start3A_418 = arith.constant 3 : i32
      %dma_start3A_419 = arith.constant 0 : i32
      %dma_start3A_420 = arith.constant 0 : i32
      %dma_start3A_421 = tpu.memref_slice %arg6[%dma_start3A_418, %dma_start3A_419, %dma_start3A_420] : memref<10x16x768xf32, #tpu.memory_space<vmem>> -> memref<1x16x768xf32, #tpu.memory_space<vmem>>
      %dma_start3A_422 = tpu.memref_squeeze %dma_start3A_421 : memref<1x16x768xf32, #tpu.memory_space<vmem>> -> memref<16x768xf32, #tpu.memory_space<vmem>>
      %dma_start3A_423 = arith.constant 0 : i32
      %dma_start3A_424 = tpu.memref_slice %arg4[%add3A_417, %dma_start3A_423] : memref<51200x768xf32, #tpu.memory_space<hbm>> -> memref<16x768xf32, #tpu.memory_space<hbm>>
      %dma_start3A_425 = arith.constant 0 : i32
      %dma_start3A_426 = tpu.memref_slice %arg4[%add3A_417, %dma_start3A_425] : memref<51200x768xf32, #tpu.memory_space<hbm>> -> memref<16x768xf32, #tpu.memory_space<hbm>>
      %dma_start3A_427 = arith.constant 0 : i32
      %dma_start3A_428 = arith.constant 0 : i32
      %dma_start3A_429 = tpu.memref_slice %arg6[%dma_start3A_418, %dma_start3A_427, %dma_start3A_428] : memref<10x16x768xf32, #tpu.memory_space<vmem>> -> memref<1x16x768xf32, #tpu.memory_space<vmem>>
      %dma_start3A_430 = tpu.memref_squeeze %dma_start3A_429 : memref<1x16x768xf32, #tpu.memory_space<vmem>> -> memref<16x768xf32, #tpu.memory_space<vmem>>
      tpu.enqueue_dma source(%dma_start3A_430 : memref<16x768xf32, #tpu.memory_space<vmem>>) target(%dma_start3A_426 : memref<16x768xf32, #tpu.memory_space<hbm>>) target_semaphore(%arg20 : memref<!tpu.dma_semaphore, #tpu.memory_space<semaphore_mem>>)
      %add3A_431 = arith.constant 4 : i32
      %add3A_432 = arith.addi %add3A_268, %add3A_431 : i32
      %sub3A_433 = arith.constant 1 : i32
      %sub3A_434 = arith.subi %add3A_432, %sub3A_433 : i32
      %add3A_435 = arith.constant 10 : i32
      %add3A_436 = arith.addi %sub3A_434, %add3A_435 : i32
      %ge3A_437 = arith.constant 10 : i32
      %ge3A_438 = arith.cmpi sge, %add3A_436, %ge3A_437 : i32
      %lt3A_439 = arith.constant 100 : i32
      %lt3A_440 = arith.cmpi slt, %add3A_436, %lt3A_439 : i32
      %and3A_441 = arith.andi %ge3A_438, %lt3A_440 : i1
      %convert_element_type3A_442 = arith.extui %and3A_441 : i1 to i32
      %cond3A_443 = arith.constant 0 : i32
      %cond3A_444 = arith.cmpi ne, %convert_element_type3A_442, %cond3A_443 : i32
      scf.if %cond3A_444 {
        %sub3A_683 = arith.constant 10 : i32
        %sub3A_684 = arith.subi %add3A_436, %sub3A_683 : i32
        %mul3A_685 = arith.constant 16 : i32
        %mul3A_686 = arith.muli %sub3A_684, %mul3A_685 : i32
        %add3A_687 = arith.addi %mul3A_2, %mul3A_686 : i32
        %dma_wait3A_688 = arith.constant 3 : i32
        %dma_wait3A_689 = arith.constant 0 : i32
        %dma_wait3A_690 = arith.constant 0 : i32
        %dma_wait3A_691 = tpu.memref_slice %arg6[%dma_wait3A_688, %dma_wait3A_689, %dma_wait3A_690] : memref<10x16x768xf32, #tpu.memory_space<vmem>> -> memref<1x16x768xf32, #tpu.memory_space<vmem>>
        %dma_wait3A_692 = tpu.memref_squeeze %dma_wait3A_691 : memref<1x16x768xf32, #tpu.memory_space<vmem>> -> memref<16x768xf32, #tpu.memory_space<vmem>>
        %dma_wait3A_693 = arith.constant 0 : i32
        %dma_wait3A_694 = tpu.memref_slice %arg4[%add3A_687, %dma_wait3A_693] : memref<51200x768xf32, #tpu.memory_space<hbm>> -> memref<16x768xf32, #tpu.memory_space<hbm>>
        %dma_wait3A_695 = arith.constant 0 : i32
        %dma_wait3A_696 = tpu.memref_slice %arg4[%add3A_687, %dma_wait3A_695] : memref<51200x768xf32, #tpu.memory_space<hbm>> -> memref<16x768xf32, #tpu.memory_space<hbm>>
        %dma_wait3A_697 = arith.constant 0 : i32
        %dma_wait3A_698 = arith.constant 0 : i32
        %dma_wait3A_699 = tpu.memref_slice %arg6[%dma_wait3A_688, %dma_wait3A_697, %dma_wait3A_698] : memref<10x16x768xf32, #tpu.memory_space<vmem>> -> memref<1x16x768xf32, #tpu.memory_space<vmem>>
        %dma_wait3A_700 = tpu.memref_squeeze %dma_wait3A_699 : memref<1x16x768xf32, #tpu.memory_space<vmem>> -> memref<16x768xf32, #tpu.memory_space<vmem>>
        tpu.wait_dma2 semaphore(%arg20 : memref<!tpu.dma_semaphore, #tpu.memory_space<semaphore_mem>>) src(%dma_wait3A_700 : memref<16x768xf32, #tpu.memory_space<vmem>>) dst(%dma_wait3A_696 : memref<16x768xf32, #tpu.memory_space<hbm>>)
        %mul3A_701 = arith.constant 16 : i32
        %mul3A_702 = arith.muli %add3A_436, %mul3A_701 : i32
        %multiple_of3A_703 = tpu.assume_multiple %mul3A_702, 8 : i32
        %dma_start3A_704 = arith.constant 3 : i32
        %dma_start3A_705 = arith.constant 0 : i32
        %dma_start3A_706 = arith.constant 0 : i32
        %dma_start3A_707 = tpu.memref_slice %arg6[%dma_start3A_704, %dma_start3A_705, %dma_start3A_706] : memref<10x16x768xf32, #tpu.memory_space<vmem>> -> memref<1x16x768xf32, #tpu.memory_space<vmem>>
        %dma_start3A_708 = tpu.memref_squeeze %dma_start3A_707 : memref<1x16x768xf32, #tpu.memory_space<vmem>> -> memref<16x768xf32, #tpu.memory_space<vmem>>
        %dma_start3A_709 = tpu.memref_slice %arg5[%multiple_of3A_703] : memref<1600xi32, #tpu.memory_space<vmem>> -> memref<16xi32, #tpu.memory_space<vmem>>
        %dma_start3A_710 = arith.constant 0 : i32
        %dma_start3A_711 = arith.constant 0 : i32
        %dma_start3A_712 = tpu.memref_slice %arg2[%dma_start3A_710, %dma_start3A_711] : memref<100000x768xf32, #tpu.memory_space<hbm>> -> memref<100000x768xf32, #tpu.memory_space<hbm>>
        tpu.enqueue_indirect_dma source(%dma_start3A_712 : memref<100000x768xf32, #tpu.memory_space<hbm>>) target(%dma_start3A_708 : memref<16x768xf32, #tpu.memory_space<vmem>>) offsets(%dma_start3A_709 : memref<16xi32, #tpu.memory_space<vmem>>) semaphore(%arg10 : memref<!tpu.dma_semaphore, #tpu.memory_space<semaphore_mem>>)
      } else {
      }
      %mul3A_445 = arith.constant 16 : i32
      %mul3A_446 = arith.muli %add3A_432, %mul3A_445 : i32
      %multiple_of3A_447 = tpu.assume_multiple %mul3A_446, 8 : i32
      %dma_wait3A_448 = arith.constant 4 : i32
      %dma_wait3A_449 = arith.constant 0 : i32
      %dma_wait3A_450 = arith.constant 0 : i32
      %dma_wait3A_451 = tpu.memref_slice %arg6[%dma_wait3A_448, %dma_wait3A_449, %dma_wait3A_450] : memref<10x16x768xf32, #tpu.memory_space<vmem>> -> memref<1x16x768xf32, #tpu.memory_space<vmem>>
      %dma_wait3A_452 = tpu.memref_squeeze %dma_wait3A_451 : memref<1x16x768xf32, #tpu.memory_space<vmem>> -> memref<16x768xf32, #tpu.memory_space<vmem>>
      %dma_wait3A_453 = tpu.memref_slice %arg5[%multiple_of3A_447] : memref<1600xi32, #tpu.memory_space<vmem>> -> memref<16xi32, #tpu.memory_space<vmem>>
      %dma_wait3A_454 = arith.constant 0 : i32
      %dma_wait3A_455 = arith.constant 0 : i32
      %dma_wait3A_456 = tpu.memref_slice %arg2[%dma_wait3A_454, %dma_wait3A_455] : memref<100000x768xf32, #tpu.memory_space<hbm>> -> memref<100000x768xf32, #tpu.memory_space<hbm>>
      tpu.wait_indirect_dma semaphore(%arg11 : memref<!tpu.dma_semaphore, #tpu.memory_space<semaphore_mem>>) src(%dma_wait3A_456 : memref<100000x768xf32, #tpu.memory_space<hbm>>) dst(%dma_wait3A_452 : memref<16x768xf32, #tpu.memory_space<vmem>>)
      %mul3A_457 = arith.constant 16 : i32
      %mul3A_458 = arith.muli %add3A_432, %mul3A_457 : i32
      %add3A_459 = arith.addi %mul3A_2, %mul3A_458 : i32
      %dma_start3A_460 = arith.constant 4 : i32
      %dma_start3A_461 = arith.constant 0 : i32
      %dma_start3A_462 = arith.constant 0 : i32
      %dma_start3A_463 = tpu.memref_slice %arg6[%dma_start3A_460, %dma_start3A_461, %dma_start3A_462] : memref<10x16x768xf32, #tpu.memory_space<vmem>> -> memref<1x16x768xf32, #tpu.memory_space<vmem>>
      %dma_start3A_464 = tpu.memref_squeeze %dma_start3A_463 : memref<1x16x768xf32, #tpu.memory_space<vmem>> -> memref<16x768xf32, #tpu.memory_space<vmem>>
      %dma_start3A_465 = arith.constant 0 : i32
      %dma_start3A_466 = tpu.memref_slice %arg4[%add3A_459, %dma_start3A_465] : memref<51200x768xf32, #tpu.memory_space<hbm>> -> memref<16x768xf32, #tpu.memory_space<hbm>>
      %dma_start3A_467 = arith.constant 0 : i32
      %dma_start3A_468 = tpu.memref_slice %arg4[%add3A_459, %dma_start3A_467] : memref<51200x768xf32, #tpu.memory_space<hbm>> -> memref<16x768xf32, #tpu.memory_space<hbm>>
      %dma_start3A_469 = arith.constant 0 : i32
      %dma_start3A_470 = arith.constant 0 : i32
      %dma_start3A_471 = tpu.memref_slice %arg6[%dma_start3A_460, %dma_start3A_469, %dma_start3A_470] : memref<10x16x768xf32, #tpu.memory_space<vmem>> -> memref<1x16x768xf32, #tpu.memory_space<vmem>>
      %dma_start3A_472 = tpu.memref_squeeze %dma_start3A_471 : memref<1x16x768xf32, #tpu.memory_space<vmem>> -> memref<16x768xf32, #tpu.memory_space<vmem>>
      tpu.enqueue_dma source(%dma_start3A_472 : memref<16x768xf32, #tpu.memory_space<vmem>>) target(%dma_start3A_468 : memref<16x768xf32, #tpu.memory_space<hbm>>) target_semaphore(%arg21 : memref<!tpu.dma_semaphore, #tpu.memory_space<semaphore_mem>>)
      %add3A_473 = arith.constant 5 : i32
      %add3A_474 = arith.addi %add3A_268, %add3A_473 : i32
      %sub3A_475 = arith.constant 1 : i32
      %sub3A_476 = arith.subi %add3A_474, %sub3A_475 : i32
      %add3A_477 = arith.constant 10 : i32
      %add3A_478 = arith.addi %sub3A_476, %add3A_477 : i32
      %ge3A_479 = arith.constant 10 : i32
      %ge3A_480 = arith.cmpi sge, %add3A_478, %ge3A_479 : i32
      %lt3A_481 = arith.constant 100 : i32
      %lt3A_482 = arith.cmpi slt, %add3A_478, %lt3A_481 : i32
      %and3A_483 = arith.andi %ge3A_480, %lt3A_482 : i1
      %convert_element_type3A_484 = arith.extui %and3A_483 : i1 to i32
      %cond3A_485 = arith.constant 0 : i32
      %cond3A_486 = arith.cmpi ne, %convert_element_type3A_484, %cond3A_485 : i32
      scf.if %cond3A_486 {
        %sub3A_683 = arith.constant 10 : i32
        %sub3A_684 = arith.subi %add3A_478, %sub3A_683 : i32
        %mul3A_685 = arith.constant 16 : i32
        %mul3A_686 = arith.muli %sub3A_684, %mul3A_685 : i32
        %add3A_687 = arith.addi %mul3A_2, %mul3A_686 : i32
        %dma_wait3A_688 = arith.constant 4 : i32
        %dma_wait3A_689 = arith.constant 0 : i32
        %dma_wait3A_690 = arith.constant 0 : i32
        %dma_wait3A_691 = tpu.memref_slice %arg6[%dma_wait3A_688, %dma_wait3A_689, %dma_wait3A_690] : memref<10x16x768xf32, #tpu.memory_space<vmem>> -> memref<1x16x768xf32, #tpu.memory_space<vmem>>
        %dma_wait3A_692 = tpu.memref_squeeze %dma_wait3A_691 : memref<1x16x768xf32, #tpu.memory_space<vmem>> -> memref<16x768xf32, #tpu.memory_space<vmem>>
        %dma_wait3A_693 = arith.constant 0 : i32
        %dma_wait3A_694 = tpu.memref_slice %arg4[%add3A_687, %dma_wait3A_693] : memref<51200x768xf32, #tpu.memory_space<hbm>> -> memref<16x768xf32, #tpu.memory_space<hbm>>
        %dma_wait3A_695 = arith.constant 0 : i32
        %dma_wait3A_696 = tpu.memref_slice %arg4[%add3A_687, %dma_wait3A_695] : memref<51200x768xf32, #tpu.memory_space<hbm>> -> memref<16x768xf32, #tpu.memory_space<hbm>>
        %dma_wait3A_697 = arith.constant 0 : i32
        %dma_wait3A_698 = arith.constant 0 : i32
        %dma_wait3A_699 = tpu.memref_slice %arg6[%dma_wait3A_688, %dma_wait3A_697, %dma_wait3A_698] : memref<10x16x768xf32, #tpu.memory_space<vmem>> -> memref<1x16x768xf32, #tpu.memory_space<vmem>>
        %dma_wait3A_700 = tpu.memref_squeeze %dma_wait3A_699 : memref<1x16x768xf32, #tpu.memory_space<vmem>> -> memref<16x768xf32, #tpu.memory_space<vmem>>
        tpu.wait_dma2 semaphore(%arg21 : memref<!tpu.dma_semaphore, #tpu.memory_space<semaphore_mem>>) src(%dma_wait3A_700 : memref<16x768xf32, #tpu.memory_space<vmem>>) dst(%dma_wait3A_696 : memref<16x768xf32, #tpu.memory_space<hbm>>)
        %mul3A_701 = arith.constant 16 : i32
        %mul3A_702 = arith.muli %add3A_478, %mul3A_701 : i32
        %multiple_of3A_703 = tpu.assume_multiple %mul3A_702, 8 : i32
        %dma_start3A_704 = arith.constant 4 : i32
        %dma_start3A_705 = arith.constant 0 : i32
        %dma_start3A_706 = arith.constant 0 : i32
        %dma_start3A_707 = tpu.memref_slice %arg6[%dma_start3A_704, %dma_start3A_705, %dma_start3A_706] : memref<10x16x768xf32, #tpu.memory_space<vmem>> -> memref<1x16x768xf32, #tpu.memory_space<vmem>>
        %dma_start3A_708 = tpu.memref_squeeze %dma_start3A_707 : memref<1x16x768xf32, #tpu.memory_space<vmem>> -> memref<16x768xf32, #tpu.memory_space<vmem>>
        %dma_start3A_709 = tpu.memref_slice %arg5[%multiple_of3A_703] : memref<1600xi32, #tpu.memory_space<vmem>> -> memref<16xi32, #tpu.memory_space<vmem>>
        %dma_start3A_710 = arith.constant 0 : i32
        %dma_start3A_711 = arith.constant 0 : i32
        %dma_start3A_712 = tpu.memref_slice %arg2[%dma_start3A_710, %dma_start3A_711] : memref<100000x768xf32, #tpu.memory_space<hbm>> -> memref<100000x768xf32, #tpu.memory_space<hbm>>
        tpu.enqueue_indirect_dma source(%dma_start3A_712 : memref<100000x768xf32, #tpu.memory_space<hbm>>) target(%dma_start3A_708 : memref<16x768xf32, #tpu.memory_space<vmem>>) offsets(%dma_start3A_709 : memref<16xi32, #tpu.memory_space<vmem>>) semaphore(%arg11 : memref<!tpu.dma_semaphore, #tpu.memory_space<semaphore_mem>>)
      } else {
      }
      %mul3A_487 = arith.constant 16 : i32
      %mul3A_488 = arith.muli %add3A_474, %mul3A_487 : i32
      %multiple_of3A_489 = tpu.assume_multiple %mul3A_488, 8 : i32
      %dma_wait3A_490 = arith.constant 5 : i32
      %dma_wait3A_491 = arith.constant 0 : i32
      %dma_wait3A_492 = arith.constant 0 : i32
      %dma_wait3A_493 = tpu.memref_slice %arg6[%dma_wait3A_490, %dma_wait3A_491, %dma_wait3A_492] : memref<10x16x768xf32, #tpu.memory_space<vmem>> -> memref<1x16x768xf32, #tpu.memory_space<vmem>>
      %dma_wait3A_494 = tpu.memref_squeeze %dma_wait3A_493 : memref<1x16x768xf32, #tpu.memory_space<vmem>> -> memref<16x768xf32, #tpu.memory_space<vmem>>
      %dma_wait3A_495 = tpu.memref_slice %arg5[%multiple_of3A_489] : memref<1600xi32, #tpu.memory_space<vmem>> -> memref<16xi32, #tpu.memory_space<vmem>>
      %dma_wait3A_496 = arith.constant 0 : i32
      %dma_wait3A_497 = arith.constant 0 : i32
      %dma_wait3A_498 = tpu.memref_slice %arg2[%dma_wait3A_496, %dma_wait3A_497] : memref<100000x768xf32, #tpu.memory_space<hbm>> -> memref<100000x768xf32, #tpu.memory_space<hbm>>
      tpu.wait_indirect_dma semaphore(%arg12 : memref<!tpu.dma_semaphore, #tpu.memory_space<semaphore_mem>>) src(%dma_wait3A_498 : memref<100000x768xf32, #tpu.memory_space<hbm>>) dst(%dma_wait3A_494 : memref<16x768xf32, #tpu.memory_space<vmem>>)
      %mul3A_499 = arith.constant 16 : i32
      %mul3A_500 = arith.muli %add3A_474, %mul3A_499 : i32
      %add3A_501 = arith.addi %mul3A_2, %mul3A_500 : i32
      %dma_start3A_502 = arith.constant 5 : i32
      %dma_start3A_503 = arith.constant 0 : i32
      %dma_start3A_504 = arith.constant 0 : i32
      %dma_start3A_505 = tpu.memref_slice %arg6[%dma_start3A_502, %dma_start3A_503, %dma_start3A_504] : memref<10x16x768xf32, #tpu.memory_space<vmem>> -> memref<1x16x768xf32, #tpu.memory_space<vmem>>
      %dma_start3A_506 = tpu.memref_squeeze %dma_start3A_505 : memref<1x16x768xf32, #tpu.memory_space<vmem>> -> memref<16x768xf32, #tpu.memory_space<vmem>>
      %dma_start3A_507 = arith.constant 0 : i32
      %dma_start3A_508 = tpu.memref_slice %arg4[%add3A_501, %dma_start3A_507] : memref<51200x768xf32, #tpu.memory_space<hbm>> -> memref<16x768xf32, #tpu.memory_space<hbm>>
      %dma_start3A_509 = arith.constant 0 : i32
      %dma_start3A_510 = tpu.memref_slice %arg4[%add3A_501, %dma_start3A_509] : memref<51200x768xf32, #tpu.memory_space<hbm>> -> memref<16x768xf32, #tpu.memory_space<hbm>>
      %dma_start3A_511 = arith.constant 0 : i32
      %dma_start3A_512 = arith.constant 0 : i32
      %dma_start3A_513 = tpu.memref_slice %arg6[%dma_start3A_502, %dma_start3A_511, %dma_start3A_512] : memref<10x16x768xf32, #tpu.memory_space<vmem>> -> memref<1x16x768xf32, #tpu.memory_space<vmem>>
      %dma_start3A_514 = tpu.memref_squeeze %dma_start3A_513 : memref<1x16x768xf32, #tpu.memory_space<vmem>> -> memref<16x768xf32, #tpu.memory_space<vmem>>
      tpu.enqueue_dma source(%dma_start3A_514 : memref<16x768xf32, #tpu.memory_space<vmem>>) target(%dma_start3A_510 : memref<16x768xf32, #tpu.memory_space<hbm>>) target_semaphore(%arg22 : memref<!tpu.dma_semaphore, #tpu.memory_space<semaphore_mem>>)
      %add3A_515 = arith.constant 6 : i32
      %add3A_516 = arith.addi %add3A_268, %add3A_515 : i32
      %sub3A_517 = arith.constant 1 : i32
      %sub3A_518 = arith.subi %add3A_516, %sub3A_517 : i32
      %add3A_519 = arith.constant 10 : i32
      %add3A_520 = arith.addi %sub3A_518, %add3A_519 : i32
      %ge3A_521 = arith.constant 10 : i32
      %ge3A_522 = arith.cmpi sge, %add3A_520, %ge3A_521 : i32
      %lt3A_523 = arith.constant 100 : i32
      %lt3A_524 = arith.cmpi slt, %add3A_520, %lt3A_523 : i32
      %and3A_525 = arith.andi %ge3A_522, %lt3A_524 : i1
      %convert_element_type3A_526 = arith.extui %and3A_525 : i1 to i32
      %cond3A_527 = arith.constant 0 : i32
      %cond3A_528 = arith.cmpi ne, %convert_element_type3A_526, %cond3A_527 : i32
      scf.if %cond3A_528 {
        %sub3A_683 = arith.constant 10 : i32
        %sub3A_684 = arith.subi %add3A_520, %sub3A_683 : i32
        %mul3A_685 = arith.constant 16 : i32
        %mul3A_686 = arith.muli %sub3A_684, %mul3A_685 : i32
        %add3A_687 = arith.addi %mul3A_2, %mul3A_686 : i32
        %dma_wait3A_688 = arith.constant 5 : i32
        %dma_wait3A_689 = arith.constant 0 : i32
        %dma_wait3A_690 = arith.constant 0 : i32
        %dma_wait3A_691 = tpu.memref_slice %arg6[%dma_wait3A_688, %dma_wait3A_689, %dma_wait3A_690] : memref<10x16x768xf32, #tpu.memory_space<vmem>> -> memref<1x16x768xf32, #tpu.memory_space<vmem>>
        %dma_wait3A_692 = tpu.memref_squeeze %dma_wait3A_691 : memref<1x16x768xf32, #tpu.memory_space<vmem>> -> memref<16x768xf32, #tpu.memory_space<vmem>>
        %dma_wait3A_693 = arith.constant 0 : i32
        %dma_wait3A_694 = tpu.memref_slice %arg4[%add3A_687, %dma_wait3A_693] : memref<51200x768xf32, #tpu.memory_space<hbm>> -> memref<16x768xf32, #tpu.memory_space<hbm>>
        %dma_wait3A_695 = arith.constant 0 : i32
        %dma_wait3A_696 = tpu.memref_slice %arg4[%add3A_687, %dma_wait3A_695] : memref<51200x768xf32, #tpu.memory_space<hbm>> -> memref<16x768xf32, #tpu.memory_space<hbm>>
        %dma_wait3A_697 = arith.constant 0 : i32
        %dma_wait3A_698 = arith.constant 0 : i32
        %dma_wait3A_699 = tpu.memref_slice %arg6[%dma_wait3A_688, %dma_wait3A_697, %dma_wait3A_698] : memref<10x16x768xf32, #tpu.memory_space<vmem>> -> memref<1x16x768xf32, #tpu.memory_space<vmem>>
        %dma_wait3A_700 = tpu.memref_squeeze %dma_wait3A_699 : memref<1x16x768xf32, #tpu.memory_space<vmem>> -> memref<16x768xf32, #tpu.memory_space<vmem>>
        tpu.wait_dma2 semaphore(%arg22 : memref<!tpu.dma_semaphore, #tpu.memory_space<semaphore_mem>>) src(%dma_wait3A_700 : memref<16x768xf32, #tpu.memory_space<vmem>>) dst(%dma_wait3A_696 : memref<16x768xf32, #tpu.memory_space<hbm>>)
        %mul3A_701 = arith.constant 16 : i32
        %mul3A_702 = arith.muli %add3A_520, %mul3A_701 : i32
        %multiple_of3A_703 = tpu.assume_multiple %mul3A_702, 8 : i32
        %dma_start3A_704 = arith.constant 5 : i32
        %dma_start3A_705 = arith.constant 0 : i32
        %dma_start3A_706 = arith.constant 0 : i32
        %dma_start3A_707 = tpu.memref_slice %arg6[%dma_start3A_704, %dma_start3A_705, %dma_start3A_706] : memref<10x16x768xf32, #tpu.memory_space<vmem>> -> memref<1x16x768xf32, #tpu.memory_space<vmem>>
        %dma_start3A_708 = tpu.memref_squeeze %dma_start3A_707 : memref<1x16x768xf32, #tpu.memory_space<vmem>> -> memref<16x768xf32, #tpu.memory_space<vmem>>
        %dma_start3A_709 = tpu.memref_slice %arg5[%multiple_of3A_703] : memref<1600xi32, #tpu.memory_space<vmem>> -> memref<16xi32, #tpu.memory_space<vmem>>
        %dma_start3A_710 = arith.constant 0 : i32
        %dma_start3A_711 = arith.constant 0 : i32
        %dma_start3A_712 = tpu.memref_slice %arg2[%dma_start3A_710, %dma_start3A_711] : memref<100000x768xf32, #tpu.memory_space<hbm>> -> memref<100000x768xf32, #tpu.memory_space<hbm>>
        tpu.enqueue_indirect_dma source(%dma_start3A_712 : memref<100000x768xf32, #tpu.memory_space<hbm>>) target(%dma_start3A_708 : memref<16x768xf32, #tpu.memory_space<vmem>>) offsets(%dma_start3A_709 : memref<16xi32, #tpu.memory_space<vmem>>) semaphore(%arg12 : memref<!tpu.dma_semaphore, #tpu.memory_space<semaphore_mem>>)
      } else {
      }
      %mul3A_529 = arith.constant 16 : i32
      %mul3A_530 = arith.muli %add3A_516, %mul3A_529 : i32
      %multiple_of3A_531 = tpu.assume_multiple %mul3A_530, 8 : i32
      %dma_wait3A_532 = arith.constant 6 : i32
      %dma_wait3A_533 = arith.constant 0 : i32
      %dma_wait3A_534 = arith.constant 0 : i32
      %dma_wait3A_535 = tpu.memref_slice %arg6[%dma_wait3A_532, %dma_wait3A_533, %dma_wait3A_534] : memref<10x16x768xf32, #tpu.memory_space<vmem>> -> memref<1x16x768xf32, #tpu.memory_space<vmem>>
      %dma_wait3A_536 = tpu.memref_squeeze %dma_wait3A_535 : memref<1x16x768xf32, #tpu.memory_space<vmem>> -> memref<16x768xf32, #tpu.memory_space<vmem>>
      %dma_wait3A_537 = tpu.memref_slice %arg5[%multiple_of3A_531] : memref<1600xi32, #tpu.memory_space<vmem>> -> memref<16xi32, #tpu.memory_space<vmem>>
      %dma_wait3A_538 = arith.constant 0 : i32
      %dma_wait3A_539 = arith.constant 0 : i32
      %dma_wait3A_540 = tpu.memref_slice %arg2[%dma_wait3A_538, %dma_wait3A_539] : memref<100000x768xf32, #tpu.memory_space<hbm>> -> memref<100000x768xf32, #tpu.memory_space<hbm>>
      tpu.wait_indirect_dma semaphore(%arg13 : memref<!tpu.dma_semaphore, #tpu.memory_space<semaphore_mem>>) src(%dma_wait3A_540 : memref<100000x768xf32, #tpu.memory_space<hbm>>) dst(%dma_wait3A_536 : memref<16x768xf32, #tpu.memory_space<vmem>>)
      %mul3A_541 = arith.constant 16 : i32
      %mul3A_542 = arith.muli %add3A_516, %mul3A_541 : i32
      %add3A_543 = arith.addi %mul3A_2, %mul3A_542 : i32
      %dma_start3A_544 = arith.constant 6 : i32
      %dma_start3A_545 = arith.constant 0 : i32
      %dma_start3A_546 = arith.constant 0 : i32
      %dma_start3A_547 = tpu.memref_slice %arg6[%dma_start3A_544, %dma_start3A_545, %dma_start3A_546] : memref<10x16x768xf32, #tpu.memory_space<vmem>> -> memref<1x16x768xf32, #tpu.memory_space<vmem>>
      %dma_start3A_548 = tpu.memref_squeeze %dma_start3A_547 : memref<1x16x768xf32, #tpu.memory_space<vmem>> -> memref<16x768xf32, #tpu.memory_space<vmem>>
      %dma_start3A_549 = arith.constant 0 : i32
      %dma_start3A_550 = tpu.memref_slice %arg4[%add3A_543, %dma_start3A_549] : memref<51200x768xf32, #tpu.memory_space<hbm>> -> memref<16x768xf32, #tpu.memory_space<hbm>>
      %dma_start3A_551 = arith.constant 0 : i32
      %dma_start3A_552 = tpu.memref_slice %arg4[%add3A_543, %dma_start3A_551] : memref<51200x768xf32, #tpu.memory_space<hbm>> -> memref<16x768xf32, #tpu.memory_space<hbm>>
      %dma_start3A_553 = arith.constant 0 : i32
      %dma_start3A_554 = arith.constant 0 : i32
      %dma_start3A_555 = tpu.memref_slice %arg6[%dma_start3A_544, %dma_start3A_553, %dma_start3A_554] : memref<10x16x768xf32, #tpu.memory_space<vmem>> -> memref<1x16x768xf32, #tpu.memory_space<vmem>>
      %dma_start3A_556 = tpu.memref_squeeze %dma_start3A_555 : memref<1x16x768xf32, #tpu.memory_space<vmem>> -> memref<16x768xf32, #tpu.memory_space<vmem>>
      tpu.enqueue_dma source(%dma_start3A_556 : memref<16x768xf32, #tpu.memory_space<vmem>>) target(%dma_start3A_552 : memref<16x768xf32, #tpu.memory_space<hbm>>) target_semaphore(%arg23 : memref<!tpu.dma_semaphore, #tpu.memory_space<semaphore_mem>>)
      %add3A_557 = arith.constant 7 : i32
      %add3A_558 = arith.addi %add3A_268, %add3A_557 : i32
      %sub3A_559 = arith.constant 1 : i32
      %sub3A_560 = arith.subi %add3A_558, %sub3A_559 : i32
      %add3A_561 = arith.constant 10 : i32
      %add3A_562 = arith.addi %sub3A_560, %add3A_561 : i32
      %ge3A_563 = arith.constant 10 : i32
      %ge3A_564 = arith.cmpi sge, %add3A_562, %ge3A_563 : i32
      %lt3A_565 = arith.constant 100 : i32
      %lt3A_566 = arith.cmpi slt, %add3A_562, %lt3A_565 : i32
      %and3A_567 = arith.andi %ge3A_564, %lt3A_566 : i1
      %convert_element_type3A_568 = arith.extui %and3A_567 : i1 to i32
      %cond3A_569 = arith.constant 0 : i32
      %cond3A_570 = arith.cmpi ne, %convert_element_type3A_568, %cond3A_569 : i32
      scf.if %cond3A_570 {
        %sub3A_683 = arith.constant 10 : i32
        %sub3A_684 = arith.subi %add3A_562, %sub3A_683 : i32
        %mul3A_685 = arith.constant 16 : i32
        %mul3A_686 = arith.muli %sub3A_684, %mul3A_685 : i32
        %add3A_687 = arith.addi %mul3A_2, %mul3A_686 : i32
        %dma_wait3A_688 = arith.constant 6 : i32
        %dma_wait3A_689 = arith.constant 0 : i32
        %dma_wait3A_690 = arith.constant 0 : i32
        %dma_wait3A_691 = tpu.memref_slice %arg6[%dma_wait3A_688, %dma_wait3A_689, %dma_wait3A_690] : memref<10x16x768xf32, #tpu.memory_space<vmem>> -> memref<1x16x768xf32, #tpu.memory_space<vmem>>
        %dma_wait3A_692 = tpu.memref_squeeze %dma_wait3A_691 : memref<1x16x768xf32, #tpu.memory_space<vmem>> -> memref<16x768xf32, #tpu.memory_space<vmem>>
        %dma_wait3A_693 = arith.constant 0 : i32
        %dma_wait3A_694 = tpu.memref_slice %arg4[%add3A_687, %dma_wait3A_693] : memref<51200x768xf32, #tpu.memory_space<hbm>> -> memref<16x768xf32, #tpu.memory_space<hbm>>
        %dma_wait3A_695 = arith.constant 0 : i32
        %dma_wait3A_696 = tpu.memref_slice %arg4[%add3A_687, %dma_wait3A_695] : memref<51200x768xf32, #tpu.memory_space<hbm>> -> memref<16x768xf32, #tpu.memory_space<hbm>>
        %dma_wait3A_697 = arith.constant 0 : i32
        %dma_wait3A_698 = arith.constant 0 : i32
        %dma_wait3A_699 = tpu.memref_slice %arg6[%dma_wait3A_688, %dma_wait3A_697, %dma_wait3A_698] : memref<10x16x768xf32, #tpu.memory_space<vmem>> -> memref<1x16x768xf32, #tpu.memory_space<vmem>>
        %dma_wait3A_700 = tpu.memref_squeeze %dma_wait3A_699 : memref<1x16x768xf32, #tpu.memory_space<vmem>> -> memref<16x768xf32, #tpu.memory_space<vmem>>
        tpu.wait_dma2 semaphore(%arg23 : memref<!tpu.dma_semaphore, #tpu.memory_space<semaphore_mem>>) src(%dma_wait3A_700 : memref<16x768xf32, #tpu.memory_space<vmem>>) dst(%dma_wait3A_696 : memref<16x768xf32, #tpu.memory_space<hbm>>)
        %mul3A_701 = arith.constant 16 : i32
        %mul3A_702 = arith.muli %add3A_562, %mul3A_701 : i32
        %multiple_of3A_703 = tpu.assume_multiple %mul3A_702, 8 : i32
        %dma_start3A_704 = arith.constant 6 : i32
        %dma_start3A_705 = arith.constant 0 : i32
        %dma_start3A_706 = arith.constant 0 : i32
        %dma_start3A_707 = tpu.memref_slice %arg6[%dma_start3A_704, %dma_start3A_705, %dma_start3A_706] : memref<10x16x768xf32, #tpu.memory_space<vmem>> -> memref<1x16x768xf32, #tpu.memory_space<vmem>>
        %dma_start3A_708 = tpu.memref_squeeze %dma_start3A_707 : memref<1x16x768xf32, #tpu.memory_space<vmem>> -> memref<16x768xf32, #tpu.memory_space<vmem>>
        %dma_start3A_709 = tpu.memref_slice %arg5[%multiple_of3A_703] : memref<1600xi32, #tpu.memory_space<vmem>> -> memref<16xi32, #tpu.memory_space<vmem>>
        %dma_start3A_710 = arith.constant 0 : i32
        %dma_start3A_711 = arith.constant 0 : i32
        %dma_start3A_712 = tpu.memref_slice %arg2[%dma_start3A_710, %dma_start3A_711] : memref<100000x768xf32, #tpu.memory_space<hbm>> -> memref<100000x768xf32, #tpu.memory_space<hbm>>
        tpu.enqueue_indirect_dma source(%dma_start3A_712 : memref<100000x768xf32, #tpu.memory_space<hbm>>) target(%dma_start3A_708 : memref<16x768xf32, #tpu.memory_space<vmem>>) offsets(%dma_start3A_709 : memref<16xi32, #tpu.memory_space<vmem>>) semaphore(%arg13 : memref<!tpu.dma_semaphore, #tpu.memory_space<semaphore_mem>>)
      } else {
      }
      %mul3A_571 = arith.constant 16 : i32
      %mul3A_572 = arith.muli %add3A_558, %mul3A_571 : i32
      %multiple_of3A_573 = tpu.assume_multiple %mul3A_572, 8 : i32
      %dma_wait3A_574 = arith.constant 7 : i32
      %dma_wait3A_575 = arith.constant 0 : i32
      %dma_wait3A_576 = arith.constant 0 : i32
      %dma_wait3A_577 = tpu.memref_slice %arg6[%dma_wait3A_574, %dma_wait3A_575, %dma_wait3A_576] : memref<10x16x768xf32, #tpu.memory_space<vmem>> -> memref<1x16x768xf32, #tpu.memory_space<vmem>>
      %dma_wait3A_578 = tpu.memref_squeeze %dma_wait3A_577 : memref<1x16x768xf32, #tpu.memory_space<vmem>> -> memref<16x768xf32, #tpu.memory_space<vmem>>
      %dma_wait3A_579 = tpu.memref_slice %arg5[%multiple_of3A_573] : memref<1600xi32, #tpu.memory_space<vmem>> -> memref<16xi32, #tpu.memory_space<vmem>>
      %dma_wait3A_580 = arith.constant 0 : i32
      %dma_wait3A_581 = arith.constant 0 : i32
      %dma_wait3A_582 = tpu.memref_slice %arg2[%dma_wait3A_580, %dma_wait3A_581] : memref<100000x768xf32, #tpu.memory_space<hbm>> -> memref<100000x768xf32, #tpu.memory_space<hbm>>
      tpu.wait_indirect_dma semaphore(%arg14 : memref<!tpu.dma_semaphore, #tpu.memory_space<semaphore_mem>>) src(%dma_wait3A_582 : memref<100000x768xf32, #tpu.memory_space<hbm>>) dst(%dma_wait3A_578 : memref<16x768xf32, #tpu.memory_space<vmem>>)
      %mul3A_583 = arith.constant 16 : i32
      %mul3A_584 = arith.muli %add3A_558, %mul3A_583 : i32
      %add3A_585 = arith.addi %mul3A_2, %mul3A_584 : i32
      %dma_start3A_586 = arith.constant 7 : i32
      %dma_start3A_587 = arith.constant 0 : i32
      %dma_start3A_588 = arith.constant 0 : i32
      %dma_start3A_589 = tpu.memref_slice %arg6[%dma_start3A_586, %dma_start3A_587, %dma_start3A_588] : memref<10x16x768xf32, #tpu.memory_space<vmem>> -> memref<1x16x768xf32, #tpu.memory_space<vmem>>
      %dma_start3A_590 = tpu.memref_squeeze %dma_start3A_589 : memref<1x16x768xf32, #tpu.memory_space<vmem>> -> memref<16x768xf32, #tpu.memory_space<vmem>>
      %dma_start3A_591 = arith.constant 0 : i32
      %dma_start3A_592 = tpu.memref_slice %arg4[%add3A_585, %dma_start3A_591] : memref<51200x768xf32, #tpu.memory_space<hbm>> -> memref<16x768xf32, #tpu.memory_space<hbm>>
      %dma_start3A_593 = arith.constant 0 : i32
      %dma_start3A_594 = tpu.memref_slice %arg4[%add3A_585, %dma_start3A_593] : memref<51200x768xf32, #tpu.memory_space<hbm>> -> memref<16x768xf32, #tpu.memory_space<hbm>>
      %dma_start3A_595 = arith.constant 0 : i32
      %dma_start3A_596 = arith.constant 0 : i32
      %dma_start3A_597 = tpu.memref_slice %arg6[%dma_start3A_586, %dma_start3A_595, %dma_start3A_596] : memref<10x16x768xf32, #tpu.memory_space<vmem>> -> memref<1x16x768xf32, #tpu.memory_space<vmem>>
      %dma_start3A_598 = tpu.memref_squeeze %dma_start3A_597 : memref<1x16x768xf32, #tpu.memory_space<vmem>> -> memref<16x768xf32, #tpu.memory_space<vmem>>
      tpu.enqueue_dma source(%dma_start3A_598 : memref<16x768xf32, #tpu.memory_space<vmem>>) target(%dma_start3A_594 : memref<16x768xf32, #tpu.memory_space<hbm>>) target_semaphore(%arg24 : memref<!tpu.dma_semaphore, #tpu.memory_space<semaphore_mem>>)
      %add3A_599 = arith.constant 8 : i32
      %add3A_600 = arith.addi %add3A_268, %add3A_599 : i32
      %sub3A_601 = arith.constant 1 : i32
      %sub3A_602 = arith.subi %add3A_600, %sub3A_601 : i32
      %add3A_603 = arith.constant 10 : i32
      %add3A_604 = arith.addi %sub3A_602, %add3A_603 : i32
      %ge3A_605 = arith.constant 10 : i32
      %ge3A_606 = arith.cmpi sge, %add3A_604, %ge3A_605 : i32
      %lt3A_607 = arith.constant 100 : i32
      %lt3A_608 = arith.cmpi slt, %add3A_604, %lt3A_607 : i32
      %and3A_609 = arith.andi %ge3A_606, %lt3A_608 : i1
      %convert_element_type3A_610 = arith.extui %and3A_609 : i1 to i32
      %cond3A_611 = arith.constant 0 : i32
      %cond3A_612 = arith.cmpi ne, %convert_element_type3A_610, %cond3A_611 : i32
      scf.if %cond3A_612 {
        %sub3A_683 = arith.constant 10 : i32
        %sub3A_684 = arith.subi %add3A_604, %sub3A_683 : i32
        %mul3A_685 = arith.constant 16 : i32
        %mul3A_686 = arith.muli %sub3A_684, %mul3A_685 : i32
        %add3A_687 = arith.addi %mul3A_2, %mul3A_686 : i32
        %dma_wait3A_688 = arith.constant 7 : i32
        %dma_wait3A_689 = arith.constant 0 : i32
        %dma_wait3A_690 = arith.constant 0 : i32
        %dma_wait3A_691 = tpu.memref_slice %arg6[%dma_wait3A_688, %dma_wait3A_689, %dma_wait3A_690] : memref<10x16x768xf32, #tpu.memory_space<vmem>> -> memref<1x16x768xf32, #tpu.memory_space<vmem>>
        %dma_wait3A_692 = tpu.memref_squeeze %dma_wait3A_691 : memref<1x16x768xf32, #tpu.memory_space<vmem>> -> memref<16x768xf32, #tpu.memory_space<vmem>>
        %dma_wait3A_693 = arith.constant 0 : i32
        %dma_wait3A_694 = tpu.memref_slice %arg4[%add3A_687, %dma_wait3A_693] : memref<51200x768xf32, #tpu.memory_space<hbm>> -> memref<16x768xf32, #tpu.memory_space<hbm>>
        %dma_wait3A_695 = arith.constant 0 : i32
        %dma_wait3A_696 = tpu.memref_slice %arg4[%add3A_687, %dma_wait3A_695] : memref<51200x768xf32, #tpu.memory_space<hbm>> -> memref<16x768xf32, #tpu.memory_space<hbm>>
        %dma_wait3A_697 = arith.constant 0 : i32
        %dma_wait3A_698 = arith.constant 0 : i32
        %dma_wait3A_699 = tpu.memref_slice %arg6[%dma_wait3A_688, %dma_wait3A_697, %dma_wait3A_698] : memref<10x16x768xf32, #tpu.memory_space<vmem>> -> memref<1x16x768xf32, #tpu.memory_space<vmem>>
        %dma_wait3A_700 = tpu.memref_squeeze %dma_wait3A_699 : memref<1x16x768xf32, #tpu.memory_space<vmem>> -> memref<16x768xf32, #tpu.memory_space<vmem>>
        tpu.wait_dma2 semaphore(%arg24 : memref<!tpu.dma_semaphore, #tpu.memory_space<semaphore_mem>>) src(%dma_wait3A_700 : memref<16x768xf32, #tpu.memory_space<vmem>>) dst(%dma_wait3A_696 : memref<16x768xf32, #tpu.memory_space<hbm>>)
        %mul3A_701 = arith.constant 16 : i32
        %mul3A_702 = arith.muli %add3A_604, %mul3A_701 : i32
        %multiple_of3A_703 = tpu.assume_multiple %mul3A_702, 8 : i32
        %dma_start3A_704 = arith.constant 7 : i32
        %dma_start3A_705 = arith.constant 0 : i32
        %dma_start3A_706 = arith.constant 0 : i32
        %dma_start3A_707 = tpu.memref_slice %arg6[%dma_start3A_704, %dma_start3A_705, %dma_start3A_706] : memref<10x16x768xf32, #tpu.memory_space<vmem>> -> memref<1x16x768xf32, #tpu.memory_space<vmem>>
        %dma_start3A_708 = tpu.memref_squeeze %dma_start3A_707 : memref<1x16x768xf32, #tpu.memory_space<vmem>> -> memref<16x768xf32, #tpu.memory_space<vmem>>
        %dma_start3A_709 = tpu.memref_slice %arg5[%multiple_of3A_703] : memref<1600xi32, #tpu.memory_space<vmem>> -> memref<16xi32, #tpu.memory_space<vmem>>
        %dma_start3A_710 = arith.constant 0 : i32
        %dma_start3A_711 = arith.constant 0 : i32
        %dma_start3A_712 = tpu.memref_slice %arg2[%dma_start3A_710, %dma_start3A_711] : memref<100000x768xf32, #tpu.memory_space<hbm>> -> memref<100000x768xf32, #tpu.memory_space<hbm>>
        tpu.enqueue_indirect_dma source(%dma_start3A_712 : memref<100000x768xf32, #tpu.memory_space<hbm>>) target(%dma_start3A_708 : memref<16x768xf32, #tpu.memory_space<vmem>>) offsets(%dma_start3A_709 : memref<16xi32, #tpu.memory_space<vmem>>) semaphore(%arg14 : memref<!tpu.dma_semaphore, #tpu.memory_space<semaphore_mem>>)
      } else {
      }
      %mul3A_613 = arith.constant 16 : i32
      %mul3A_614 = arith.muli %add3A_600, %mul3A_613 : i32
      %multiple_of3A_615 = tpu.assume_multiple %mul3A_614, 8 : i32
      %dma_wait3A_616 = arith.constant 8 : i32
      %dma_wait3A_617 = arith.constant 0 : i32
      %dma_wait3A_618 = arith.constant 0 : i32
      %dma_wait3A_619 = tpu.memref_slice %arg6[%dma_wait3A_616, %dma_wait3A_617, %dma_wait3A_618] : memref<10x16x768xf32, #tpu.memory_space<vmem>> -> memref<1x16x768xf32, #tpu.memory_space<vmem>>
      %dma_wait3A_620 = tpu.memref_squeeze %dma_wait3A_619 : memref<1x16x768xf32, #tpu.memory_space<vmem>> -> memref<16x768xf32, #tpu.memory_space<vmem>>
      %dma_wait3A_621 = tpu.memref_slice %arg5[%multiple_of3A_615] : memref<1600xi32, #tpu.memory_space<vmem>> -> memref<16xi32, #tpu.memory_space<vmem>>
      %dma_wait3A_622 = arith.constant 0 : i32
      %dma_wait3A_623 = arith.constant 0 : i32
      %dma_wait3A_624 = tpu.memref_slice %arg2[%dma_wait3A_622, %dma_wait3A_623] : memref<100000x768xf32, #tpu.memory_space<hbm>> -> memref<100000x768xf32, #tpu.memory_space<hbm>>
      tpu.wait_indirect_dma semaphore(%arg15 : memref<!tpu.dma_semaphore, #tpu.memory_space<semaphore_mem>>) src(%dma_wait3A_624 : memref<100000x768xf32, #tpu.memory_space<hbm>>) dst(%dma_wait3A_620 : memref<16x768xf32, #tpu.memory_space<vmem>>)
      %mul3A_625 = arith.constant 16 : i32
      %mul3A_626 = arith.muli %add3A_600, %mul3A_625 : i32
      %add3A_627 = arith.addi %mul3A_2, %mul3A_626 : i32
      %dma_start3A_628 = arith.constant 8 : i32
      %dma_start3A_629 = arith.constant 0 : i32
      %dma_start3A_630 = arith.constant 0 : i32
      %dma_start3A_631 = tpu.memref_slice %arg6[%dma_start3A_628, %dma_start3A_629, %dma_start3A_630] : memref<10x16x768xf32, #tpu.memory_space<vmem>> -> memref<1x16x768xf32, #tpu.memory_space<vmem>>
      %dma_start3A_632 = tpu.memref_squeeze %dma_start3A_631 : memref<1x16x768xf32, #tpu.memory_space<vmem>> -> memref<16x768xf32, #tpu.memory_space<vmem>>
      %dma_start3A_633 = arith.constant 0 : i32
      %dma_start3A_634 = tpu.memref_slice %arg4[%add3A_627, %dma_start3A_633] : memref<51200x768xf32, #tpu.memory_space<hbm>> -> memref<16x768xf32, #tpu.memory_space<hbm>>
      %dma_start3A_635 = arith.constant 0 : i32
      %dma_start3A_636 = tpu.memref_slice %arg4[%add3A_627, %dma_start3A_635] : memref<51200x768xf32, #tpu.memory_space<hbm>> -> memref<16x768xf32, #tpu.memory_space<hbm>>
      %dma_start3A_637 = arith.constant 0 : i32
      %dma_start3A_638 = arith.constant 0 : i32
      %dma_start3A_639 = tpu.memref_slice %arg6[%dma_start3A_628, %dma_start3A_637, %dma_start3A_638] : memref<10x16x768xf32, #tpu.memory_space<vmem>> -> memref<1x16x768xf32, #tpu.memory_space<vmem>>
      %dma_start3A_640 = tpu.memref_squeeze %dma_start3A_639 : memref<1x16x768xf32, #tpu.memory_space<vmem>> -> memref<16x768xf32, #tpu.memory_space<vmem>>
      tpu.enqueue_dma source(%dma_start3A_640 : memref<16x768xf32, #tpu.memory_space<vmem>>) target(%dma_start3A_636 : memref<16x768xf32, #tpu.memory_space<hbm>>) target_semaphore(%arg25 : memref<!tpu.dma_semaphore, #tpu.memory_space<semaphore_mem>>)
      %add3A_641 = arith.constant 9 : i32
      %add3A_642 = arith.addi %add3A_268, %add3A_641 : i32
      %sub3A_643 = arith.constant 1 : i32
      %sub3A_644 = arith.subi %add3A_642, %sub3A_643 : i32
      %add3A_645 = arith.constant 10 : i32
      %add3A_646 = arith.addi %sub3A_644, %add3A_645 : i32
      %ge3A_647 = arith.constant 10 : i32
      %ge3A_648 = arith.cmpi sge, %add3A_646, %ge3A_647 : i32
      %lt3A_649 = arith.constant 100 : i32
      %lt3A_650 = arith.cmpi slt, %add3A_646, %lt3A_649 : i32
      %and3A_651 = arith.andi %ge3A_648, %lt3A_650 : i1
      %convert_element_type3A_652 = arith.extui %and3A_651 : i1 to i32
      %cond3A_653 = arith.constant 0 : i32
      %cond3A_654 = arith.cmpi ne, %convert_element_type3A_652, %cond3A_653 : i32
      scf.if %cond3A_654 {
        %sub3A_683 = arith.constant 10 : i32
        %sub3A_684 = arith.subi %add3A_646, %sub3A_683 : i32
        %mul3A_685 = arith.constant 16 : i32
        %mul3A_686 = arith.muli %sub3A_684, %mul3A_685 : i32
        %add3A_687 = arith.addi %mul3A_2, %mul3A_686 : i32
        %dma_wait3A_688 = arith.constant 8 : i32
        %dma_wait3A_689 = arith.constant 0 : i32
        %dma_wait3A_690 = arith.constant 0 : i32
        %dma_wait3A_691 = tpu.memref_slice %arg6[%dma_wait3A_688, %dma_wait3A_689, %dma_wait3A_690] : memref<10x16x768xf32, #tpu.memory_space<vmem>> -> memref<1x16x768xf32, #tpu.memory_space<vmem>>
        %dma_wait3A_692 = tpu.memref_squeeze %dma_wait3A_691 : memref<1x16x768xf32, #tpu.memory_space<vmem>> -> memref<16x768xf32, #tpu.memory_space<vmem>>
        %dma_wait3A_693 = arith.constant 0 : i32
        %dma_wait3A_694 = tpu.memref_slice %arg4[%add3A_687, %dma_wait3A_693] : memref<51200x768xf32, #tpu.memory_space<hbm>> -> memref<16x768xf32, #tpu.memory_space<hbm>>
        %dma_wait3A_695 = arith.constant 0 : i32
        %dma_wait3A_696 = tpu.memref_slice %arg4[%add3A_687, %dma_wait3A_695] : memref<51200x768xf32, #tpu.memory_space<hbm>> -> memref<16x768xf32, #tpu.memory_space<hbm>>
        %dma_wait3A_697 = arith.constant 0 : i32
        %dma_wait3A_698 = arith.constant 0 : i32
        %dma_wait3A_699 = tpu.memref_slice %arg6[%dma_wait3A_688, %dma_wait3A_697, %dma_wait3A_698] : memref<10x16x768xf32, #tpu.memory_space<vmem>> -> memref<1x16x768xf32, #tpu.memory_space<vmem>>
        %dma_wait3A_700 = tpu.memref_squeeze %dma_wait3A_699 : memref<1x16x768xf32, #tpu.memory_space<vmem>> -> memref<16x768xf32, #tpu.memory_space<vmem>>
        tpu.wait_dma2 semaphore(%arg25 : memref<!tpu.dma_semaphore, #tpu.memory_space<semaphore_mem>>) src(%dma_wait3A_700 : memref<16x768xf32, #tpu.memory_space<vmem>>) dst(%dma_wait3A_696 : memref<16x768xf32, #tpu.memory_space<hbm>>)
        %mul3A_701 = arith.constant 16 : i32
        %mul3A_702 = arith.muli %add3A_646, %mul3A_701 : i32
        %multiple_of3A_703 = tpu.assume_multiple %mul3A_702, 8 : i32
        %dma_start3A_704 = arith.constant 8 : i32
        %dma_start3A_705 = arith.constant 0 : i32
        %dma_start3A_706 = arith.constant 0 : i32
        %dma_start3A_707 = tpu.memref_slice %arg6[%dma_start3A_704, %dma_start3A_705, %dma_start3A_706] : memref<10x16x768xf32, #tpu.memory_space<vmem>> -> memref<1x16x768xf32, #tpu.memory_space<vmem>>
        %dma_start3A_708 = tpu.memref_squeeze %dma_start3A_707 : memref<1x16x768xf32, #tpu.memory_space<vmem>> -> memref<16x768xf32, #tpu.memory_space<vmem>>
        %dma_start3A_709 = tpu.memref_slice %arg5[%multiple_of3A_703] : memref<1600xi32, #tpu.memory_space<vmem>> -> memref<16xi32, #tpu.memory_space<vmem>>
        %dma_start3A_710 = arith.constant 0 : i32
        %dma_start3A_711 = arith.constant 0 : i32
        %dma_start3A_712 = tpu.memref_slice %arg2[%dma_start3A_710, %dma_start3A_711] : memref<100000x768xf32, #tpu.memory_space<hbm>> -> memref<100000x768xf32, #tpu.memory_space<hbm>>
        tpu.enqueue_indirect_dma source(%dma_start3A_712 : memref<100000x768xf32, #tpu.memory_space<hbm>>) target(%dma_start3A_708 : memref<16x768xf32, #tpu.memory_space<vmem>>) offsets(%dma_start3A_709 : memref<16xi32, #tpu.memory_space<vmem>>) semaphore(%arg15 : memref<!tpu.dma_semaphore, #tpu.memory_space<semaphore_mem>>)
      } else {
      }
      %mul3A_655 = arith.constant 16 : i32
      %mul3A_656 = arith.muli %add3A_642, %mul3A_655 : i32
      %multiple_of3A_657 = tpu.assume_multiple %mul3A_656, 8 : i32
      %dma_wait3A_658 = arith.constant 9 : i32
      %dma_wait3A_659 = arith.constant 0 : i32
      %dma_wait3A_660 = arith.constant 0 : i32
      %dma_wait3A_661 = tpu.memref_slice %arg6[%dma_wait3A_658, %dma_wait3A_659, %dma_wait3A_660] : memref<10x16x768xf32, #tpu.memory_space<vmem>> -> memref<1x16x768xf32, #tpu.memory_space<vmem>>
      %dma_wait3A_662 = tpu.memref_squeeze %dma_wait3A_661 : memref<1x16x768xf32, #tpu.memory_space<vmem>> -> memref<16x768xf32, #tpu.memory_space<vmem>>
      %dma_wait3A_663 = tpu.memref_slice %arg5[%multiple_of3A_657] : memref<1600xi32, #tpu.memory_space<vmem>> -> memref<16xi32, #tpu.memory_space<vmem>>
      %dma_wait3A_664 = arith.constant 0 : i32
      %dma_wait3A_665 = arith.constant 0 : i32
      %dma_wait3A_666 = tpu.memref_slice %arg2[%dma_wait3A_664, %dma_wait3A_665] : memref<100000x768xf32, #tpu.memory_space<hbm>> -> memref<100000x768xf32, #tpu.memory_space<hbm>>
      tpu.wait_indirect_dma semaphore(%arg16 : memref<!tpu.dma_semaphore, #tpu.memory_space<semaphore_mem>>) src(%dma_wait3A_666 : memref<100000x768xf32, #tpu.memory_space<hbm>>) dst(%dma_wait3A_662 : memref<16x768xf32, #tpu.memory_space<vmem>>)
      %mul3A_667 = arith.constant 16 : i32
      %mul3A_668 = arith.muli %add3A_642, %mul3A_667 : i32
      %add3A_669 = arith.addi %mul3A_2, %mul3A_668 : i32
      %dma_start3A_670 = arith.constant 9 : i32
      %dma_start3A_671 = arith.constant 0 : i32
      %dma_start3A_672 = arith.constant 0 : i32
      %dma_start3A_673 = tpu.memref_slice %arg6[%dma_start3A_670, %dma_start3A_671, %dma_start3A_672] : memref<10x16x768xf32, #tpu.memory_space<vmem>> -> memref<1x16x768xf32, #tpu.memory_space<vmem>>
      %dma_start3A_674 = tpu.memref_squeeze %dma_start3A_673 : memref<1x16x768xf32, #tpu.memory_space<vmem>> -> memref<16x768xf32, #tpu.memory_space<vmem>>
      %dma_start3A_675 = arith.constant 0 : i32
      %dma_start3A_676 = tpu.memref_slice %arg4[%add3A_669, %dma_start3A_675] : memref<51200x768xf32, #tpu.memory_space<hbm>> -> memref<16x768xf32, #tpu.memory_space<hbm>>
      %dma_start3A_677 = arith.constant 0 : i32
      %dma_start3A_678 = tpu.memref_slice %arg4[%add3A_669, %dma_start3A_677] : memref<51200x768xf32, #tpu.memory_space<hbm>> -> memref<16x768xf32, #tpu.memory_space<hbm>>
      %dma_start3A_679 = arith.constant 0 : i32
      %dma_start3A_680 = arith.constant 0 : i32
      %dma_start3A_681 = tpu.memref_slice %arg6[%dma_start3A_670, %dma_start3A_679, %dma_start3A_680] : memref<10x16x768xf32, #tpu.memory_space<vmem>> -> memref<1x16x768xf32, #tpu.memory_space<vmem>>
      %dma_start3A_682 = tpu.memref_squeeze %dma_start3A_681 : memref<1x16x768xf32, #tpu.memory_space<vmem>> -> memref<16x768xf32, #tpu.memory_space<vmem>>
      tpu.enqueue_dma source(%dma_start3A_682 : memref<16x768xf32, #tpu.memory_space<vmem>>) target(%dma_start3A_678 : memref<16x768xf32, #tpu.memory_space<hbm>>) target_semaphore(%arg26 : memref<!tpu.dma_semaphore, #tpu.memory_space<semaphore_mem>>)
    }
    %scan3A_114 = arith.constant 10 : i32
    %add3A_115 = arith.constant 0 : i32
    %add3A_116 = arith.addi %mul3A_2, %add3A_115 : i32
    %dma_wait3A = arith.constant 0 : i32
    %dma_wait3A_117 = arith.constant 0 : i32
    %dma_wait3A_118 = arith.constant 0 : i32
    %dma_wait3A_119 = tpu.memref_slice %arg6[%dma_wait3A, %dma_wait3A_117, %dma_wait3A_118] : memref<10x16x768xf32, #tpu.memory_space<vmem>> -> memref<1x16x768xf32, #tpu.memory_space<vmem>>
    %dma_wait3A_120 = tpu.memref_squeeze %dma_wait3A_119 : memref<1x16x768xf32, #tpu.memory_space<vmem>> -> memref<16x768xf32, #tpu.memory_space<vmem>>
    %dma_wait3A_121 = arith.constant 0 : i32
    %dma_wait3A_122 = tpu.memref_slice %arg4[%add3A_116, %dma_wait3A_121] : memref<51200x768xf32, #tpu.memory_space<hbm>> -> memref<16x768xf32, #tpu.memory_space<hbm>>
    %dma_wait3A_123 = arith.constant 0 : i32
    %dma_wait3A_124 = tpu.memref_slice %arg4[%add3A_116, %dma_wait3A_123] : memref<51200x768xf32, #tpu.memory_space<hbm>> -> memref<16x768xf32, #tpu.memory_space<hbm>>
    %dma_wait3A_125 = arith.constant 0 : i32
    %dma_wait3A_126 = arith.constant 0 : i32
    %dma_wait3A_127 = tpu.memref_slice %arg6[%dma_wait3A, %dma_wait3A_125, %dma_wait3A_126] : memref<10x16x768xf32, #tpu.memory_space<vmem>> -> memref<1x16x768xf32, #tpu.memory_space<vmem>>
    %dma_wait3A_128 = tpu.memref_squeeze %dma_wait3A_127 : memref<1x16x768xf32, #tpu.memory_space<vmem>> -> memref<16x768xf32, #tpu.memory_space<vmem>>
    tpu.wait_dma2 semaphore(%arg17 : memref<!tpu.dma_semaphore, #tpu.memory_space<semaphore_mem>>) src(%dma_wait3A_128 : memref<16x768xf32, #tpu.memory_space<vmem>>) dst(%dma_wait3A_124 : memref<16x768xf32, #tpu.memory_space<hbm>>)
    %add3A_129 = arith.constant 0 : i32
    %add3A_130 = arith.addi %mul3A_2, %add3A_129 : i32
    %dma_wait3A_131 = arith.constant 1 : i32
    %dma_wait3A_132 = arith.constant 0 : i32
    %dma_wait3A_133 = arith.constant 0 : i32
    %dma_wait3A_134 = tpu.memref_slice %arg6[%dma_wait3A_131, %dma_wait3A_132, %dma_wait3A_133] : memref<10x16x768xf32, #tpu.memory_space<vmem>> -> memref<1x16x768xf32, #tpu.memory_space<vmem>>
    %dma_wait3A_135 = tpu.memref_squeeze %dma_wait3A_134 : memref<1x16x768xf32, #tpu.memory_space<vmem>> -> memref<16x768xf32, #tpu.memory_space<vmem>>
    %dma_wait3A_136 = arith.constant 0 : i32
    %dma_wait3A_137 = tpu.memref_slice %arg4[%add3A_130, %dma_wait3A_136] : memref<51200x768xf32, #tpu.memory_space<hbm>> -> memref<16x768xf32, #tpu.memory_space<hbm>>
    %dma_wait3A_138 = arith.constant 0 : i32
    %dma_wait3A_139 = tpu.memref_slice %arg4[%add3A_130, %dma_wait3A_138] : memref<51200x768xf32, #tpu.memory_space<hbm>> -> memref<16x768xf32, #tpu.memory_space<hbm>>
    %dma_wait3A_140 = arith.constant 0 : i32
    %dma_wait3A_141 = arith.constant 0 : i32
    %dma_wait3A_142 = tpu.memref_slice %arg6[%dma_wait3A_131, %dma_wait3A_140, %dma_wait3A_141] : memref<10x16x768xf32, #tpu.memory_space<vmem>> -> memref<1x16x768xf32, #tpu.memory_space<vmem>>
    %dma_wait3A_143 = tpu.memref_squeeze %dma_wait3A_142 : memref<1x16x768xf32, #tpu.memory_space<vmem>> -> memref<16x768xf32, #tpu.memory_space<vmem>>
    tpu.wait_dma2 semaphore(%arg18 : memref<!tpu.dma_semaphore, #tpu.memory_space<semaphore_mem>>) src(%dma_wait3A_143 : memref<16x768xf32, #tpu.memory_space<vmem>>) dst(%dma_wait3A_139 : memref<16x768xf32, #tpu.memory_space<hbm>>)
    %add3A_144 = arith.constant 0 : i32
    %add3A_145 = arith.addi %mul3A_2, %add3A_144 : i32
    %dma_wait3A_146 = arith.constant 2 : i32
    %dma_wait3A_147 = arith.constant 0 : i32
    %dma_wait3A_148 = arith.constant 0 : i32
    %dma_wait3A_149 = tpu.memref_slice %arg6[%dma_wait3A_146, %dma_wait3A_147, %dma_wait3A_148] : memref<10x16x768xf32, #tpu.memory_space<vmem>> -> memref<1x16x768xf32, #tpu.memory_space<vmem>>
    %dma_wait3A_150 = tpu.memref_squeeze %dma_wait3A_149 : memref<1x16x768xf32, #tpu.memory_space<vmem>> -> memref<16x768xf32, #tpu.memory_space<vmem>>
    %dma_wait3A_151 = arith.constant 0 : i32
    %dma_wait3A_152 = tpu.memref_slice %arg4[%add3A_145, %dma_wait3A_151] : memref<51200x768xf32, #tpu.memory_space<hbm>> -> memref<16x768xf32, #tpu.memory_space<hbm>>
    %dma_wait3A_153 = arith.constant 0 : i32
    %dma_wait3A_154 = tpu.memref_slice %arg4[%add3A_145, %dma_wait3A_153] : memref<51200x768xf32, #tpu.memory_space<hbm>> -> memref<16x768xf32, #tpu.memory_space<hbm>>
    %dma_wait3A_155 = arith.constant 0 : i32
    %dma_wait3A_156 = arith.constant 0 : i32
    %dma_wait3A_157 = tpu.memref_slice %arg6[%dma_wait3A_146, %dma_wait3A_155, %dma_wait3A_156] : memref<10x16x768xf32, #tpu.memory_space<vmem>> -> memref<1x16x768xf32, #tpu.memory_space<vmem>>
    %dma_wait3A_158 = tpu.memref_squeeze %dma_wait3A_157 : memref<1x16x768xf32, #tpu.memory_space<vmem>> -> memref<16x768xf32, #tpu.memory_space<vmem>>
    tpu.wait_dma2 semaphore(%arg19 : memref<!tpu.dma_semaphore, #tpu.memory_space<semaphore_mem>>) src(%dma_wait3A_158 : memref<16x768xf32, #tpu.memory_space<vmem>>) dst(%dma_wait3A_154 : memref<16x768xf32, #tpu.memory_space<hbm>>)
    %add3A_159 = arith.constant 0 : i32
    %add3A_160 = arith.addi %mul3A_2, %add3A_159 : i32
    %dma_wait3A_161 = arith.constant 3 : i32
    %dma_wait3A_162 = arith.constant 0 : i32
    %dma_wait3A_163 = arith.constant 0 : i32
    %dma_wait3A_164 = tpu.memref_slice %arg6[%dma_wait3A_161, %dma_wait3A_162, %dma_wait3A_163] : memref<10x16x768xf32, #tpu.memory_space<vmem>> -> memref<1x16x768xf32, #tpu.memory_space<vmem>>
    %dma_wait3A_165 = tpu.memref_squeeze %dma_wait3A_164 : memref<1x16x768xf32, #tpu.memory_space<vmem>> -> memref<16x768xf32, #tpu.memory_space<vmem>>
    %dma_wait3A_166 = arith.constant 0 : i32
    %dma_wait3A_167 = tpu.memref_slice %arg4[%add3A_160, %dma_wait3A_166] : memref<51200x768xf32, #tpu.memory_space<hbm>> -> memref<16x768xf32, #tpu.memory_space<hbm>>
    %dma_wait3A_168 = arith.constant 0 : i32
    %dma_wait3A_169 = tpu.memref_slice %arg4[%add3A_160, %dma_wait3A_168] : memref<51200x768xf32, #tpu.memory_space<hbm>> -> memref<16x768xf32, #tpu.memory_space<hbm>>
    %dma_wait3A_170 = arith.constant 0 : i32
    %dma_wait3A_171 = arith.constant 0 : i32
    %dma_wait3A_172 = tpu.memref_slice %arg6[%dma_wait3A_161, %dma_wait3A_170, %dma_wait3A_171] : memref<10x16x768xf32, #tpu.memory_space<vmem>> -> memref<1x16x768xf32, #tpu.memory_space<vmem>>
    %dma_wait3A_173 = tpu.memref_squeeze %dma_wait3A_172 : memref<1x16x768xf32, #tpu.memory_space<vmem>> -> memref<16x768xf32, #tpu.memory_space<vmem>>
    tpu.wait_dma2 semaphore(%arg20 : memref<!tpu.dma_semaphore, #tpu.memory_space<semaphore_mem>>) src(%dma_wait3A_173 : memref<16x768xf32, #tpu.memory_space<vmem>>) dst(%dma_wait3A_169 : memref<16x768xf32, #tpu.memory_space<hbm>>)
    %add3A_174 = arith.constant 0 : i32
    %add3A_175 = arith.addi %mul3A_2, %add3A_174 : i32
    %dma_wait3A_176 = arith.constant 4 : i32
    %dma_wait3A_177 = arith.constant 0 : i32
    %dma_wait3A_178 = arith.constant 0 : i32
    %dma_wait3A_179 = tpu.memref_slice %arg6[%dma_wait3A_176, %dma_wait3A_177, %dma_wait3A_178] : memref<10x16x768xf32, #tpu.memory_space<vmem>> -> memref<1x16x768xf32, #tpu.memory_space<vmem>>
    %dma_wait3A_180 = tpu.memref_squeeze %dma_wait3A_179 : memref<1x16x768xf32, #tpu.memory_space<vmem>> -> memref<16x768xf32, #tpu.memory_space<vmem>>
    %dma_wait3A_181 = arith.constant 0 : i32
    %dma_wait3A_182 = tpu.memref_slice %arg4[%add3A_175, %dma_wait3A_181] : memref<51200x768xf32, #tpu.memory_space<hbm>> -> memref<16x768xf32, #tpu.memory_space<hbm>>
    %dma_wait3A_183 = arith.constant 0 : i32
    %dma_wait3A_184 = tpu.memref_slice %arg4[%add3A_175, %dma_wait3A_183] : memref<51200x768xf32, #tpu.memory_space<hbm>> -> memref<16x768xf32, #tpu.memory_space<hbm>>
    %dma_wait3A_185 = arith.constant 0 : i32
    %dma_wait3A_186 = arith.constant 0 : i32
    %dma_wait3A_187 = tpu.memref_slice %arg6[%dma_wait3A_176, %dma_wait3A_185, %dma_wait3A_186] : memref<10x16x768xf32, #tpu.memory_space<vmem>> -> memref<1x16x768xf32, #tpu.memory_space<vmem>>
    %dma_wait3A_188 = tpu.memref_squeeze %dma_wait3A_187 : memref<1x16x768xf32, #tpu.memory_space<vmem>> -> memref<16x768xf32, #tpu.memory_space<vmem>>
    tpu.wait_dma2 semaphore(%arg21 : memref<!tpu.dma_semaphore, #tpu.memory_space<semaphore_mem>>) src(%dma_wait3A_188 : memref<16x768xf32, #tpu.memory_space<vmem>>) dst(%dma_wait3A_184 : memref<16x768xf32, #tpu.memory_space<hbm>>)
    %add3A_189 = arith.constant 0 : i32
    %add3A_190 = arith.addi %mul3A_2, %add3A_189 : i32
    %dma_wait3A_191 = arith.constant 5 : i32
    %dma_wait3A_192 = arith.constant 0 : i32
    %dma_wait3A_193 = arith.constant 0 : i32
    %dma_wait3A_194 = tpu.memref_slice %arg6[%dma_wait3A_191, %dma_wait3A_192, %dma_wait3A_193] : memref<10x16x768xf32, #tpu.memory_space<vmem>> -> memref<1x16x768xf32, #tpu.memory_space<vmem>>
    %dma_wait3A_195 = tpu.memref_squeeze %dma_wait3A_194 : memref<1x16x768xf32, #tpu.memory_space<vmem>> -> memref<16x768xf32, #tpu.memory_space<vmem>>
    %dma_wait3A_196 = arith.constant 0 : i32
    %dma_wait3A_197 = tpu.memref_slice %arg4[%add3A_190, %dma_wait3A_196] : memref<51200x768xf32, #tpu.memory_space<hbm>> -> memref<16x768xf32, #tpu.memory_space<hbm>>
    %dma_wait3A_198 = arith.constant 0 : i32
    %dma_wait3A_199 = tpu.memref_slice %arg4[%add3A_190, %dma_wait3A_198] : memref<51200x768xf32, #tpu.memory_space<hbm>> -> memref<16x768xf32, #tpu.memory_space<hbm>>
    %dma_wait3A_200 = arith.constant 0 : i32
    %dma_wait3A_201 = arith.constant 0 : i32
    %dma_wait3A_202 = tpu.memref_slice %arg6[%dma_wait3A_191, %dma_wait3A_200, %dma_wait3A_201] : memref<10x16x768xf32, #tpu.memory_space<vmem>> -> memref<1x16x768xf32, #tpu.memory_space<vmem>>
    %dma_wait3A_203 = tpu.memref_squeeze %dma_wait3A_202 : memref<1x16x768xf32, #tpu.memory_space<vmem>> -> memref<16x768xf32, #tpu.memory_space<vmem>>
    tpu.wait_dma2 semaphore(%arg22 : memref<!tpu.dma_semaphore, #tpu.memory_space<semaphore_mem>>) src(%dma_wait3A_203 : memref<16x768xf32, #tpu.memory_space<vmem>>) dst(%dma_wait3A_199 : memref<16x768xf32, #tpu.memory_space<hbm>>)
    %add3A_204 = arith.constant 0 : i32
    %add3A_205 = arith.addi %mul3A_2, %add3A_204 : i32
    %dma_wait3A_206 = arith.constant 6 : i32
    %dma_wait3A_207 = arith.constant 0 : i32
    %dma_wait3A_208 = arith.constant 0 : i32
    %dma_wait3A_209 = tpu.memref_slice %arg6[%dma_wait3A_206, %dma_wait3A_207, %dma_wait3A_208] : memref<10x16x768xf32, #tpu.memory_space<vmem>> -> memref<1x16x768xf32, #tpu.memory_space<vmem>>
    %dma_wait3A_210 = tpu.memref_squeeze %dma_wait3A_209 : memref<1x16x768xf32, #tpu.memory_space<vmem>> -> memref<16x768xf32, #tpu.memory_space<vmem>>
    %dma_wait3A_211 = arith.constant 0 : i32
    %dma_wait3A_212 = tpu.memref_slice %arg4[%add3A_205, %dma_wait3A_211] : memref<51200x768xf32, #tpu.memory_space<hbm>> -> memref<16x768xf32, #tpu.memory_space<hbm>>
    %dma_wait3A_213 = arith.constant 0 : i32
    %dma_wait3A_214 = tpu.memref_slice %arg4[%add3A_205, %dma_wait3A_213] : memref<51200x768xf32, #tpu.memory_space<hbm>> -> memref<16x768xf32, #tpu.memory_space<hbm>>
    %dma_wait3A_215 = arith.constant 0 : i32
    %dma_wait3A_216 = arith.constant 0 : i32
    %dma_wait3A_217 = tpu.memref_slice %arg6[%dma_wait3A_206, %dma_wait3A_215, %dma_wait3A_216] : memref<10x16x768xf32, #tpu.memory_space<vmem>> -> memref<1x16x768xf32, #tpu.memory_space<vmem>>
    %dma_wait3A_218 = tpu.memref_squeeze %dma_wait3A_217 : memref<1x16x768xf32, #tpu.memory_space<vmem>> -> memref<16x768xf32, #tpu.memory_space<vmem>>
    tpu.wait_dma2 semaphore(%arg23 : memref<!tpu.dma_semaphore, #tpu.memory_space<semaphore_mem>>) src(%dma_wait3A_218 : memref<16x768xf32, #tpu.memory_space<vmem>>) dst(%dma_wait3A_214 : memref<16x768xf32, #tpu.memory_space<hbm>>)
    %add3A_219 = arith.constant 0 : i32
    %add3A_220 = arith.addi %mul3A_2, %add3A_219 : i32
    %dma_wait3A_221 = arith.constant 7 : i32
    %dma_wait3A_222 = arith.constant 0 : i32
    %dma_wait3A_223 = arith.constant 0 : i32
    %dma_wait3A_224 = tpu.memref_slice %arg6[%dma_wait3A_221, %dma_wait3A_222, %dma_wait3A_223] : memref<10x16x768xf32, #tpu.memory_space<vmem>> -> memref<1x16x768xf32, #tpu.memory_space<vmem>>
    %dma_wait3A_225 = tpu.memref_squeeze %dma_wait3A_224 : memref<1x16x768xf32, #tpu.memory_space<vmem>> -> memref<16x768xf32, #tpu.memory_space<vmem>>
    %dma_wait3A_226 = arith.constant 0 : i32
    %dma_wait3A_227 = tpu.memref_slice %arg4[%add3A_220, %dma_wait3A_226] : memref<51200x768xf32, #tpu.memory_space<hbm>> -> memref<16x768xf32, #tpu.memory_space<hbm>>
    %dma_wait3A_228 = arith.constant 0 : i32
    %dma_wait3A_229 = tpu.memref_slice %arg4[%add3A_220, %dma_wait3A_228] : memref<51200x768xf32, #tpu.memory_space<hbm>> -> memref<16x768xf32, #tpu.memory_space<hbm>>
    %dma_wait3A_230 = arith.constant 0 : i32
    %dma_wait3A_231 = arith.constant 0 : i32
    %dma_wait3A_232 = tpu.memref_slice %arg6[%dma_wait3A_221, %dma_wait3A_230, %dma_wait3A_231] : memref<10x16x768xf32, #tpu.memory_space<vmem>> -> memref<1x16x768xf32, #tpu.memory_space<vmem>>
    %dma_wait3A_233 = tpu.memref_squeeze %dma_wait3A_232 : memref<1x16x768xf32, #tpu.memory_space<vmem>> -> memref<16x768xf32, #tpu.memory_space<vmem>>
    tpu.wait_dma2 semaphore(%arg24 : memref<!tpu.dma_semaphore, #tpu.memory_space<semaphore_mem>>) src(%dma_wait3A_233 : memref<16x768xf32, #tpu.memory_space<vmem>>) dst(%dma_wait3A_229 : memref<16x768xf32, #tpu.memory_space<hbm>>)
    %add3A_234 = arith.constant 0 : i32
    %add3A_235 = arith.addi %mul3A_2, %add3A_234 : i32
    %dma_wait3A_236 = arith.constant 8 : i32
    %dma_wait3A_237 = arith.constant 0 : i32
    %dma_wait3A_238 = arith.constant 0 : i32
    %dma_wait3A_239 = tpu.memref_slice %arg6[%dma_wait3A_236, %dma_wait3A_237, %dma_wait3A_238] : memref<10x16x768xf32, #tpu.memory_space<vmem>> -> memref<1x16x768xf32, #tpu.memory_space<vmem>>
    %dma_wait3A_240 = tpu.memref_squeeze %dma_wait3A_239 : memref<1x16x768xf32, #tpu.memory_space<vmem>> -> memref<16x768xf32, #tpu.memory_space<vmem>>
    %dma_wait3A_241 = arith.constant 0 : i32
    %dma_wait3A_242 = tpu.memref_slice %arg4[%add3A_235, %dma_wait3A_241] : memref<51200x768xf32, #tpu.memory_space<hbm>> -> memref<16x768xf32, #tpu.memory_space<hbm>>
    %dma_wait3A_243 = arith.constant 0 : i32
    %dma_wait3A_244 = tpu.memref_slice %arg4[%add3A_235, %dma_wait3A_243] : memref<51200x768xf32, #tpu.memory_space<hbm>> -> memref<16x768xf32, #tpu.memory_space<hbm>>
    %dma_wait3A_245 = arith.constant 0 : i32
    %dma_wait3A_246 = arith.constant 0 : i32
    %dma_wait3A_247 = tpu.memref_slice %arg6[%dma_wait3A_236, %dma_wait3A_245, %dma_wait3A_246] : memref<10x16x768xf32, #tpu.memory_space<vmem>> -> memref<1x16x768xf32, #tpu.memory_space<vmem>>
    %dma_wait3A_248 = tpu.memref_squeeze %dma_wait3A_247 : memref<1x16x768xf32, #tpu.memory_space<vmem>> -> memref<16x768xf32, #tpu.memory_space<vmem>>
    tpu.wait_dma2 semaphore(%arg25 : memref<!tpu.dma_semaphore, #tpu.memory_space<semaphore_mem>>) src(%dma_wait3A_248 : memref<16x768xf32, #tpu.memory_space<vmem>>) dst(%dma_wait3A_244 : memref<16x768xf32, #tpu.memory_space<hbm>>)
    %add3A_249 = arith.constant 0 : i32
    %add3A_250 = arith.addi %mul3A_2, %add3A_249 : i32
    %dma_wait3A_251 = arith.constant 9 : i32
    %dma_wait3A_252 = arith.constant 0 : i32
    %dma_wait3A_253 = arith.constant 0 : i32
    %dma_wait3A_254 = tpu.memref_slice %arg6[%dma_wait3A_251, %dma_wait3A_252, %dma_wait3A_253] : memref<10x16x768xf32, #tpu.memory_space<vmem>> -> memref<1x16x768xf32, #tpu.memory_space<vmem>>
    %dma_wait3A_255 = tpu.memref_squeeze %dma_wait3A_254 : memref<1x16x768xf32, #tpu.memory_space<vmem>> -> memref<16x768xf32, #tpu.memory_space<vmem>>
    %dma_wait3A_256 = arith.constant 0 : i32
    %dma_wait3A_257 = tpu.memref_slice %arg4[%add3A_250, %dma_wait3A_256] : memref<51200x768xf32, #tpu.memory_space<hbm>> -> memref<16x768xf32, #tpu.memory_space<hbm>>
    %dma_wait3A_258 = arith.constant 0 : i32
    %dma_wait3A_259 = tpu.memref_slice %arg4[%add3A_250, %dma_wait3A_258] : memref<51200x768xf32, #tpu.memory_space<hbm>> -> memref<16x768xf32, #tpu.memory_space<hbm>>
    %dma_wait3A_260 = arith.constant 0 : i32
    %dma_wait3A_261 = arith.constant 0 : i32
    %dma_wait3A_262 = tpu.memref_slice %arg6[%dma_wait3A_251, %dma_wait3A_260, %dma_wait3A_261] : memref<10x16x768xf32, #tpu.memory_space<vmem>> -> memref<1x16x768xf32, #tpu.memory_space<vmem>>
    %dma_wait3A_263 = tpu.memref_squeeze %dma_wait3A_262 : memref<1x16x768xf32, #tpu.memory_space<vmem>> -> memref<16x768xf32, #tpu.memory_space<vmem>>
    tpu.wait_dma2 semaphore(%arg26 : memref<!tpu.dma_semaphore, #tpu.memory_space<semaphore_mem>>) src(%dma_wait3A_263 : memref<16x768xf32, #tpu.memory_space<vmem>>) dst(%dma_wait3A_259 : memref<16x768xf32, #tpu.memory_space<hbm>>)
    return
  }
}

</mosaic_0001>

<sc_bundles>
// kernel: kernel.3.cloned.1.call-start
scs
__scs_entry_jumppad:
0x0: {  	(pc) =	sbr.rel $0x88, $3  }
0x1: {  	(tag) =	ssettag $0x0;
	lr =	simm.s32 $0x1  }
0x2: {  	[smem:$0x3F9F] =	sst lr;
	_ =	strace $0xD0000000  }
0x3: {  	_ = 	snop  }
0x4: {  	_ = 	snop  }
0x5: {  	_ = 	snop  }
0x6: {  	_ = 	snop  }
0x7: {  	_ = 	snop  }
__scs_overlays_trampoline_lowered:
0x8: {  	[smem:$0x3FAE] =	sst s0  }
0x9: {  	[smem:$0x3FAF] =	sst s1  }
0xa: {  	[smem:$0x3FB0] =	sst s2  }
0xb: {  	[smem:$0x3FB1] =	sst s3  }
0xc: {  	[smem:$0x3FB2] =	sst s4  }
0xd: {  	[smem:$0x3FB3] =	sst s5  }
0xe: {  	[smem:$0x3FB4] =	sst s6  }
0xf: {  	[smem:$0x3FB5] =	sst s7  }
0x10: {  	[smem:$0x3FB6] =	sst s8  }
0x11: {  	[smem:$0x3FB7] =	sst s9;
	s0 =	simm.s32 @!p0 $0x0  }
0x12: {  	s1 =	sld [smem:$0x3F9D];
	s0 =	simm.s32 @p0 $0x1  }
0x13: {  	[smem:$0x3FB8] =	sst s0;
	s0 =	simm.s32 @!p1 $0x0  }
0x14: {  	s2 =	sld [smem:$0x3F9C];
	s0 =	simm.s32 @p1 $0x1  }
0x15: {  	[smem:$0x3FB9] =	sst s0;
	s0 =	simm.s32 @!p2 $0x0  }
0x16: {  	s3 =	sld [smem:$0x3FDB];
	s0 =	simm.s32 @p2 $0x1  }
0x17: {  	s4 =	simm.s32 $0x1BF5;
	[smem:$0x3FBB] =	sst s0  }
0x18: {  	s0 =	sld [smem:$0x3F9E];
	_ =	swait.ge [sflag:s4], $0x0  }
0x19: {  	s7 =	sld [smem:$0x3F9F]  }
0x1a: {  	s8 =	sadd.s32 $0xFFFFE003, lr  }
0x1b: {  	s9 =	sadd.s32 $0xFFFFFEF7, lr;
	s5 =	simm.s32 $0xFFFFFFFF;
	p2 =	slt.u32 s8, $0xFFFFF086  }
0x1c: {  	p1 =	slt.u32 s9, $0xF7A;
	s5 =	simm.s32 @!p2 $0x0  }
0x1d: {  	s5 =	simm.s32 @p1 $0x1;
	p0 =	seq.s32 s7, s2  }
0x1e: {  	s7 =	smul.u32 @!p0 $0xF7A, s2;
	p2 =	seq.s32 @!p0 s5, $0x0  }
0x1f: {  	s9 =	smul.u32 $0xF7A, s1;
	s8 =	simm.s32 @!p0 $0x1BF5;
	p2 =	por !p2, p0  }
0x20: {  	[sflag:s8] =	ssyncset.s32 @!p0 $0xFFFFF086;
	s6 =	sadd.s32 @!p0 s3, s7;
	s7 =	simm.s32 @!p0 $0x108  }
0x21: {  	s3 =	sadd.s32 s3, s9;
	s6 =	sadd.s32 @!p0 $0x88, s6;
	s7 =	simm.s32 @p2 $0x1082  }
0x22: {  	[simem:s7], [sflag:s8] =	dma.local @!p0 [hbm:s6], $0xF7A  }
0x23: {  	s9 =	sor.u32 $0xD0000000, s2;
	s6 =	simm.s32 $0x108;
	_ =	swait.ge @!p0 [sflag:s8], $0x0  }
0x24: {  	s3 =	sadd.s32 $0x88, s3;
	s6 =	simm.s32 @!p1 $0x1082;
	[sflag:s4] =	ssyncset.s32 $0xFFFFF086  }
0x25: {  	[simem:s6], [sflag:s4] =	dma.local [hbm:s3], $0xF7A  }
0x26: {  	[smem:$0x3F9F] =	sst s1;
	(tag) =	ssettag s2;
	_ =	strace s9  }
0x27: {  	s1 =	sld [smem:$0x3FAF]  }
0x28: {  	s2 =	sld [smem:$0x3FB0]  }
0x29: {  	s4 =	sld [smem:$0x3FB2]  }
0x2a: {  	p0 =	seq.s32 s5, $0x0;
	s5 =	sld [smem:$0x3FB3]  }
0x2b: {  	s6 =	sld [smem:$0x3FB4]  }
0x2c: {  	s7 =	sld [smem:$0x3FB5]  }
0x2d: {  	s3 =	simm.s32 $0x108;
	s8 =	sld [smem:$0x3FB6]  }
0x2e: {  	s3 =	simm.s32 @!p0 $0x1082;
	s9 =	sld [smem:$0x3FB7]  }
0x2f: {  	lr =	sadd.s32 s0, s3;
	s0 =	sld [smem:$0x3FAE]  }
0x30: {  	s3 =	sld [smem:$0x3FB1]  }
0x31: {  	[smem:$0x3FBA] =	sst s10  }
0x32: {  	s10 =	sld [smem:$0x3FB8];
	_ =	sdelay $0x3  }
0x33: {  	p0 =	seq.s32 s10, $0x1;
	s10 =	sld [smem:$0x3FBA];
	_ =	sdelay $0x3  }
0x34: {  	[smem:$0x3FBA] =	sst s10  }
0x35: {  	s10 =	sld [smem:$0x3FB9];
	_ =	sdelay $0x3  }
0x36: {  	p1 =	seq.s32 s10, $0x1;
	s10 =	sld [smem:$0x3FBA];
	_ =	sdelay $0x3  }
0x37: {  	[smem:$0x3FBA] =	sst s10  }
0x38: {  	s10 =	sld [smem:$0x3FBB]  }
0x39: {  	_ = 	snop;
	(pc) =	sbr.ind lr, $3  }
0x3a: {  	_ = 	snop  }
0x3b: {  	_ = 	snop  }
0x3c: {  	p2 =	seq.s32 s10, $0x1;
	s10 =	sld [smem:$0x3FBA]  }
0x3d: {  	_ =	shalt  }
0x3e: {  	_ =	shalt  }
0x3f: {  	_ =	shalt  }
0x40: {  	_ =	shalt  }
0x41: {  	_ =	shalt  }
0x42: {  	_ =	shalt  }
0x43: {  	_ =	shalt  }
0x44: {  	_ =	shalt  }
0x45: {  	_ =	shalt  }
0x46: {  	_ =	shalt  }
0x47: {  	_ =	shalt  }
0x48: {  	_ =	shalt  }
0x49: {  	_ =	shalt  }
0x4a: {  	_ =	shalt  }
0x4b: {  	_ =	shalt  }
0x4c: {  	_ =	shalt  }
0x4d: {  	_ =	shalt  }
0x4e: {  	_ =	shalt  }
0x4f: {  	_ =	shalt  }
0x50: {  	_ =	shalt  }
0x51: {  	_ =	shalt  }
0x52: {  	_ =	shalt  }
0x53: {  	_ =	shalt  }
0x54: {  	_ =	shalt  }
0x55: {  	_ =	shalt  }
0x56: {  	_ =	shalt  }
0x57: {  	_ =	shalt  }
0x58: {  	_ =	shalt  }
0x59: {  	_ =	shalt  }
0x5a: {  	_ =	shalt  }
0x5b: {  	_ =	shalt  }
0x5c: {  	_ =	shalt  }
0x5d: {  	_ =	shalt  }
0x5e: {  	_ =	shalt  }
0x5f: {  	_ =	shalt  }
0x60: {  	_ =	shalt  }
0x61: {  	_ =	shalt  }
0x62: {  	_ =	shalt  }
0x63: {  	_ =	shalt  }
0x64: {  	_ =	shalt  }
0x65: {  	_ =	shalt  }
0x66: {  	_ =	shalt  }
0x67: {  	_ =	shalt  }
0x68: {  	_ =	shalt  }
0x69: {  	_ =	shalt  }
0x6a: {  	_ =	shalt  }
0x6b: {  	_ =	shalt  }
0x6c: {  	_ =	shalt  }
0x6d: {  	_ =	shalt  }
0x6e: {  	_ =	shalt  }
0x6f: {  	_ =	shalt  }
0x70: {  	_ =	shalt  }
0x71: {  	_ =	shalt  }
0x72: {  	_ =	shalt  }
0x73: {  	_ =	shalt  }
0x74: {  	_ =	shalt  }
0x75: {  	_ =	shalt  }
0x76: {  	_ =	shalt  }
0x77: {  	_ =	shalt  }
0x78: {  	_ =	shalt  }
0x79: {  	_ =	shalt  }
0x7a: {  	_ =	shalt  }
0x7b: {  	_ =	shalt  }
0x7c: {  	_ =	shalt  }
0x7d: {  	_ =	shalt  }
0x7e: {  	_ =	shalt  }
0x7f: {  	_ =	shalt  }
0x80: {  	_ =	shalt  }
0x81: {  	_ =	shalt  }
0x82: {  	_ =	shalt  }
0x83: {  	_ =	shalt  }
0x84: {  	_ =	shalt  }
0x85: {  	_ =	shalt  }
0x86: {  	_ =	shalt  }
0x87: {  	_ =	shalt  }
.Lfunc_end0:
.L_simem_size_0:
called_computation_lowered:
.L_overlay_start_0:
0x88: {  	s2 =	sld [smem:$0x3FD9]  }
0x89: {  	s3 =	sld [smem:$0x3FFE];
	_ =	sdelay $0x1  }
0x8a: {  	s1 =	srdreg.scid  }
0x8b: {  	s0 =	sand.u32 $0x1, s1  }
0x8c: {  	s17 =	sshll.u32 s0, $0xA;
	s2 =	sadd.s32 s3, s2  }
0x8d: {  	s2 =	sadd.s32 s2, s17  }
0x8e: {  	[smem:$0x3FC6] =	sst s2  }
0x8f: {  	_ = 	snop  }
0x90: {  	s2 =	sld [smem:$0x3FC8]  }
0x91: {  	s18 =	sld [smem:$0x3FD0];
	(tm) =	ssettm $0x1  }
0x92: {  	s4 =	sld [smem:$0x3FFB];
	_ =	sdelay $0x3  }
0x93: {  	_ =	strace s4  }
0x94: {  	s4 =	sld [smem:$0x3FFC];
	_ =	sdelay $0x3  }
0x95: {  	_ =	strace s4  }
0x96: {  	s4 =	sld [smem:$0x3FFD];
	_ =	sdelay $0x3  }
0x97: {  	_ =	strace s4  }
0x98: {  	_ =	strace $0x8FFFFFFF  }
0x99: {  	s19 =	sld [smem:$0x3FDB];
	_ =	sdelay $0x1  }
0x9a: {  	s5 =	simm.s32 $_scs_section_size  }
0x9b: {  	s6 =	simm.s32 $_size__tile_overlayer_lowered;
	s7 =	simm.s32 $_tile_overlayer_lowered  }
0x9c: {  	s22 =	simm.s32 $0x1BFF;
	s21 =	sshll.u32 s7, $0x1;
	s4 =	sadd.s32 s5, s19  }
0x9d: {  	s8 =	simm.s32 $0x0;
	s20 =	sshll.u32 s6, $0x1;
	s6 =	sadd.s32 s21, s4  }
0x9e: {  	[timem:s8], [sflag:s22] =	dma.local [hbm:s6], s20  }
0x9f: {  	_ =	swait.ge [sflag:s22], s20  }
0xa0: {  	s5 =	ssub.s32 $0x0, s20;
	[sflag:s22] =	ssyncset.done $0x0  }
0xa1: {  	[sflag:s22] =	ssyncadd.s32 s5;
	_ =	sdelay $0x1  }
0xa2: {  	s23 =	simm.s32 $0x1B8B  }
0xa3: {  	_ =	swait.ge [sflag:s23], $0x1  }
0xa4: {  	[sflag:s23] =	ssyncset.done $0x0  }
0xa5: {  	s25 =	simm.s32 $0x1B8E;
	s24 =	sld [smem:$0x3FFE];
	[sflag:s23] =	ssyncadd.s32 $0xFFFFFFFF  }
0xa6: {  	s26 =	simm.s32 $execute0_lowered;
	[smem:$0x3FD2] =	sst s25  }
0xa7: {  	s6 =	sshll.u32 s26, $0x1;
	_ =	strace $0x80000046;
	[dreg:$0x1] =	wrdreg $0xFFFFFFFF  }
0xa8: {  	s28 =	simm.s32 $_size_execute0_lowered;
	s4 =	sadd.s32 s4, s6;
	[dreg:$0x0] =	wrdreg $0x0  }
0xa9: {  	s6 =	sshll.u32 s28, $0x1;
	[dreg:$0x2] =	wrdreg s4  }
0xaa: {  	[dreg:$0x3] =	wrdreg s6  }
0xab: {  	[dreg:$0x4] =	wrdreg $0xC0  }
0xac: {  	_ =	task [dreg:s8], $0x5FFFF  }
0xad: {  	[dreg:$0x1] =	wrdreg $0xFFFFFFFF  }
0xae: {  	[dreg:$0x0] =	wrdreg $0x60  }
0xaf: {  	[dreg:$0x2] =	wrdreg s2  }
0xb0: {  	[dreg:$0x3] =	wrdreg s24  }
0xb1: {  	[dreg:$0x4] =	wrdreg s18  }
0xb2: {  	[dreg:$0x5] =	wrdreg $0x9  }
0xb3: {  	_ =	task.clear_ibuf [dreg:s8], $0x6FFFF;
	_ =	strace $0x90000046  }
0xb4: {  	s29 =	simm.s32 $0x9;
	_ =	strace $0x80000048  }
0xb5: {  	_ =	swait.ge [sflag:s29], $0x1  }
0xb6: {  	[sflag:s29] =	ssyncadd.s32 $0xFFFFFFFF  }
0xb7: {  	_ =	strace $0x90000048  }
0xb8: {  	_ =	sfence  }
0xb9: {  	s30 =	sld [smem:$0x0];
	_ =	sdelay $0x2  }
0xba: {  	s31 =	sshll.u32 s1, $0xD;
	s1 =	sshrl.u32 s1, $0x2  }
0xbb: {  	s3 =	sand.u32 $0x4000, s31;
	s1 =	sadd.s32 s1, s30  }
0xbc: {  	s0 =	sor.u32 s3, s0;
	s1 =	sshll.u32 s1, $0x11  }
0xbd: {  	s0 =	sor.u32 s1, s0  }
0xbe: {  	s0 =	sadd.s32 $0x8F2B, s0  }
0xbf: {  	[sflag:s0] =	ssyncadd.remote.s32 $0x1  }
0xc0: {  	_ =	sfence.sel $0xFFFF  }
0xc1: {  	[dreg:$0x0] =	wrdreg $0xFFFFFFFF;
	(pc) =	sbr.abs _section_cstart, $3  }
0xc2: {  	[dreg:$0x1] =	wrdreg $0xFFFFFFFF  }
0xc3: {  	_ =	task.clear_ibuf [dreg:s8], $0x2FFFF;
	_ =	strace $0x9FFFFFFF  }
0xc4: {  	(tm) =	ssettm $0x7FFFFFFF  }
0xc5: {  	_ =	shalt  }
tec
execute0_lowered:
.L_overlay_start_1:
0x0: {  	(tag) =	ssettag $0x1  }
0x1: {  	s1 =	rddreg [dreg:$0x0];
	s0 =	srdreg.scid  }
0x2: {  	s7 =	stileid.u32;
	s2 =	rddreg [dreg:$0x1]  }
0x3: {  	s30 =	rddreg [dreg:$0x2];
	s4 =	sand.u32 $0x1, s0;
	s5 =	smul.u32 $0xC80, s7  }
0x4: {  	s3 =	simm.s32 $0x0;
	s28 =	simm.s32 $0x9680;
	s6 =	smul.u32 $0x640, s4  }
0x5: {  	s31 =	simm.s32 $0x14;
	s7 =	sshll.u32 s7, $0x1;
	[smem:$0x7FF] =	sst s3  }
0x6: {  	s8 =	sor.u32 s4, s7;
	_ =	strace $0x80000047;
	s5 =	sadd.s32 s6, s5  }
0x7: {  	s4 =	ssub.s32 $0x2, s4;
	s6 =	smul.u32 $0x640, s8;
	s9 =	sadd.s32 $0x90, s5  }
0x8: {  	s8 =	sshrl.u32 s5, $0x3;
	s12 =	sor.u32 $0x10, s5;
	s14 =	sor.u32 $0x20, s5  }
0x9: {  	s15 =	sor.u32 $0x30, s5;
	s16 =	sadd.s32 $0x40, s5;
	s21 =	sadd.s32 $0x80, s5  }
0xa: {  	s23 =	sadd.s32 $0x70, s5;
	s24 =	sadd.s32 $0x60, s5;
	s5 =	sadd.s32 $0x50, s5  }
0xb: {  	s7 =	sshrl.u32 s9, $0x3;
	s6 =	sshrl.u32 s6, $0x3;
	s9 =	sshrl.u32 s4, $0x1  }
0xc: {  	s8 =	smul.u32 $0x300, s8;
	s13 =	sshrl.u32 s12, $0x3;
	s22 =	sshrl.u32 s21, $0x3  }
0xd: {  	s5 =	sshrl.u32 s5, $0x3;
	s21 =	simm.s32 $0x6680;
	s7 =	smul.u32 $0x300, s7  }
0xe: {  	s12 =	simm.s32 $0x2;
	s2 =	sadd.s32 s6, s2;
	s6 =	smul.u32 $0x300, s13  }
0xf: {  	s4 =	ssub.s32 s4, s9;
	s9 =	sshrl.u32 s16, $0x3;
	s26 =	smul.u32 $0x300, s5  }
0x10: {  	s5 =	sadd.s32 $0x100, s1;
	s16 =	simm.s32 $0x18680;
	s13 =	simm.s32 $0x3  }
0x11: {  	s11 =	sadd.s32 s8, s30;
	s8 =	sshrl.u32 s15, $0x3;
	s18 =	smul.u32 $0x300, s9  }
0x12: {  	s2 =	sadd.s32 $0x400, s2;
	s9 =	simm.s32 $0x680;
	s15 =	simm.s32 $0x3680  }
0x13: {  	s10 =	sadd.s32 s7, s30;
	[dreg:$0x5] =	wrdreg s11;
	s7 =	sshrl.u32 s14, $0x3  }
0x14: {  	s6 =	sadd.s32 s6, s30;
	s8 =	smul.u32 $0x300, s8;
	[dreg:$0xe] =	wrdreg s2  }
0x15: {  	s2 =	smul.u32 $0x300, s22;
	s0 =	sadd.s32 s26, s30;
	s11 =	simm.s32 $0x1  }
0x16: {  	s14 =	simm.s32 $0x4;
	s22 =	simm.s32 $0x8;
	[dreg:$0x4] =	wrdreg s10  }
0x17: {  	s26 =	simm.s32 $0xA;
	s7 =	smul.u32 $0x300, s7;
	[dreg:$0x6] =	wrdreg s6  }
0x18: {  	s20 =	sadd.s32 s18, s30;
	s6 =	sshrl.u32 s23, $0x3;
	[dreg:$0xd] =	wrdreg s0  }
0x19: {  	s10 =	simm.s32 $0xC680;
	s18 =	simm.s32 $0x5;
	s23 =	simm.s32 $0x9  }
0x1a: {  	s0 =	simm.s32 $0x0;
	s19 =	sadd.s32 s8, s30;
	[dreg:$0x9] =	wrdreg s20  }
0x1b: {  	s6 =	smul.u32 $0x300, s6;
	s2 =	sadd.s32 s2, s30;
	s20 =	simm.s32 $0x7  }
0x1c: {  	s17 =	sadd.s32 s7, s30;
	[dreg:$0x8] =	wrdreg s19;
	s7 =	sshrl.u32 s24, $0x3  }
0x1d: {  	[dreg:$0xa] =	wrdreg s2;
	s24 =	simm.s32 $0x12680;
	s7 =	smul.u32 $0x300, s7  }
0x1e: {  	s2 =	simm.s32 $0x15680;
	[dreg:$0x7] =	wrdreg s17;
	s25 =	sadd.s32 s6, s30  }
0x1f: {  	v2 =	vlaneseq.u32;
	s19 =	simm.s32 $0x6;
	[dreg:$0xb] =	wrdreg s25;
	s29 =	sadd.s32 s7, s30  }
0x20: {  	vm0 =	vmmov $0xffff;
	v1 =	vshrl.u32 v2, $0x3;
	s6 =	sadd.s32 $0x200, s1;
	s30 =	smax.u32 s4, $0x1;
	[dreg:$0xc] =	wrdreg s29  }
0x21: {  	v0 =	vand.u32 $0x7, v2;
	v2 =	vor.u32 $0x8, v2;
	v1 =	vmul.u32 $0x8, v1;
	s17 =	simm.s32 $0xF680;
	s25 =	simm.s32 $0x1B680;
	[dreg:$0xf] =	wrdreg s30  }
.LBB2_1:
0x22: {  	s4 =	rddreg [dreg:$0xe];
	s8 =	simm.s32 $0x15  }
0x23: {  	[tilespmem:s3], [sflag:$0x15] =	stream.linear.gather [hbm4b:s4+s3], $0x640, $0x38;
	[tilespmem:$0x1E680] =	vst v63  }
0x24: {  	_ =	swait.ge [sflag:s8], $0x640  }
0x25: {  	[sflag:s8] =	ssyncset.done $0x0  }
0x26: {  	[sflag:s8] =	ssyncadd.s32 $0xFFFFF9C0  }
0x27: {  	v3 =	vld [tilespmem:$0x0];
	_ =	sdelay $0x4  }
0x28: {  	v4 =	vshrl.u32 v3, $0x3  }
0x29: {  	v4 =	vmul.u32 $0x30, v4  }
0x2a: {  	v3 =	vand.u32 $0x7, v3  }
0x2b: {  	v3 =	vor.u32 v3, v4  }
0x2c: {  	v4 =	vperm.xlane v3, v0;
	_ =	sdelay $0x1  }
0x2d: {  	v4 =	vadd.s32 v1, v4;
	_ =	sdelay $0x3  }
0x2e: {  	v3 =	vperm.xlane v3, v2  }
0x2f: {  	[tilespmem:s9], [sflag:$0x1] =	stream.indirect_vreg.gather [hbm4b:s1+s3], $0x80, v4, vm0, $0xb8;
	[tilespmem:$0x1E680] =	vst v63  }
0x30: {  	s29 =	simm.s32 $0xE80;
	v3 =	vadd.s32 v1, v3  }
0x31: {  	[tilespmem:s29], [sflag:$0x1] =	stream.indirect_vreg.gather [hbm4b:s5+s3], $0x80, v4, vm0, $0xb8;
	[tilespmem:$0x1E680] =	vst v63  }
0x32: {  	s30 =	simm.s32 $0x1680  }
0x33: {  	[tilespmem:s30], [sflag:$0x1] =	stream.indirect_vreg.gather [hbm4b:s6+s3], $0x80, v4, vm0, $0xb8;
	[tilespmem:$0x1E680] =	vst v63  }
0x34: {  	s7 =	simm.s32 $0x1E80  }
0x35: {  	[tilespmem:s7], [sflag:$0x1] =	stream.indirect_vreg.gather [hbm4b:s1+s3], $0x80, v3, vm0, $0xb8;
	[tilespmem:$0x1E680] =	vst v63  }
0x36: {  	s8 =	simm.s32 $0x2680  }
0x37: {  	[tilespmem:s8], [sflag:$0x1] =	stream.indirect_vreg.gather [hbm4b:s5+s3], $0x80, v3, vm0, $0xb8;
	[tilespmem:$0x1E680] =	vst v63  }
0x38: {  	s29 =	simm.s32 $0x2E80  }
0x39: {  	[tilespmem:s29], [sflag:$0x1] =	stream.indirect_vreg.gather [hbm4b:s6+s3], $0x80, v3, vm0, $0xb8;
	[tilespmem:$0x1E680] =	vst v63  }
0x3a: {  	v3 =	vld [tilespmem:$0x10];
	_ =	sdelay $0x4  }
0x3b: {  	v55 =	vshrl.u32 v3, $0x3  }
0x3c: {  	v4 =	vmul.u32 $0x30, v55  }
0x3d: {  	v3 =	vand.u32 $0x7, v3  }
0x3e: {  	v3 =	vor.u32 v3, v4  }
0x3f: {  	v4 =	vperm.xlane v3, v0;
	_ =	sdelay $0x1  }
0x40: {  	v4 =	vadd.s32 v1, v4;
	_ =	sdelay $0x3  }
0x41: {  	v3 =	vperm.xlane v3, v2  }
0x42: {  	[tilespmem:s15], [sflag:$0x2] =	stream.indirect_vreg.gather [hbm4b:s1+s3], $0x80, v4, vm0, $0xb8;
	[tilespmem:$0x1E680] =	vst v63  }
0x43: {  	s30 =	simm.s32 $0x3E80;
	v3 =	vadd.s32 v1, v3  }
0x44: {  	[tilespmem:s30], [sflag:$0x2] =	stream.indirect_vreg.gather [hbm4b:s5+s3], $0x80, v4, vm0, $0xb8;
	[tilespmem:$0x1E680] =	vst v63  }
0x45: {  	s7 =	simm.s32 $0x4680  }
0x46: {  	[tilespmem:s7], [sflag:$0x2] =	stream.indirect_vreg.gather [hbm4b:s6+s3], $0x80, v4, vm0, $0xb8;
	[tilespmem:$0x1E680] =	vst v63  }
0x47: {  	s8 =	simm.s32 $0x4E80  }
0x48: {  	[tilespmem:s8], [sflag:$0x2] =	stream.indirect_vreg.gather [hbm4b:s1+s3], $0x80, v3, vm0, $0xb8;
	[tilespmem:$0x1E680] =	vst v63  }
0x49: {  	s29 =	simm.s32 $0x5680  }
0x4a: {  	[tilespmem:s29], [sflag:$0x2] =	stream.indirect_vreg.gather [hbm4b:s5+s3], $0x80, v3, vm0, $0xb8;
	[tilespmem:$0x1E680] =	vst v63  }
0x4b: {  	s30 =	simm.s32 $0x5E80  }
0x4c: {  	[tilespmem:s30], [sflag:$0x2] =	stream.indirect_vreg.gather [hbm4b:s6+s3], $0x80, v3, vm0, $0xb8;
	[tilespmem:$0x1E680] =	vst v63  }
0x4d: {  	v3 =	vld [tilespmem:$0x20];
	_ =	sdelay $0x4  }
0x4e: {  	v56 =	vshrl.u32 v3, $0x3  }
0x4f: {  	v4 =	vmul.u32 $0x30, v56  }
0x50: {  	v3 =	vand.u32 $0x7, v3  }
0x51: {  	v3 =	vor.u32 v3, v4  }
0x52: {  	v4 =	vperm.xlane v3, v0;
	_ =	sdelay $0x1  }
0x53: {  	v4 =	vadd.s32 v1, v4;
	_ =	sdelay $0x3  }
0x54: {  	v3 =	vperm.xlane v3, v2  }
0x55: {  	[tilespmem:s21], [sflag:$0x3] =	stream.indirect_vreg.gather [hbm4b:s1+s3], $0x80, v4, vm0, $0xb8;
	[tilespmem:$0x1E680] =	vst v63  }
0x56: {  	s7 =	simm.s32 $0x6E80;
	v3 =	vadd.s32 v1, v3  }
0x57: {  	[tilespmem:s7], [sflag:$0x3] =	stream.indirect_vreg.gather [hbm4b:s5+s3], $0x80, v4, vm0, $0xb8;
	[tilespmem:$0x1E680] =	vst v63  }
0x58: {  	s8 =	simm.s32 $0x7680  }
0x59: {  	[tilespmem:s8], [sflag:$0x3] =	stream.indirect_vreg.gather [hbm4b:s6+s3], $0x80, v4, vm0, $0xb8;
	[tilespmem:$0x1E680] =	vst v63  }
0x5a: {  	s29 =	simm.s32 $0x7E80  }
0x5b: {  	[tilespmem:s29], [sflag:$0x3] =	stream.indirect_vreg.gather [hbm4b:s1+s3], $0x80, v3, vm0, $0xb8;
	[tilespmem:$0x1E680] =	vst v63  }
0x5c: {  	s30 =	simm.s32 $0x8680  }
0x5d: {  	[tilespmem:s30], [sflag:$0x3] =	stream.indirect_vreg.gather [hbm4b:s5+s3], $0x80, v3, vm0, $0xb8;
	[tilespmem:$0x1E680] =	vst v63  }
0x5e: {  	s7 =	simm.s32 $0x8E80  }
0x5f: {  	[tilespmem:s7], [sflag:$0x3] =	stream.indirect_vreg.gather [hbm4b:s6+s3], $0x80, v3, vm0, $0xb8;
	[tilespmem:$0x1E680] =	vst v63  }
0x60: {  	v3 =	vld [tilespmem:$0x30];
	_ =	sdelay $0x4  }
0x61: {  	v57 =	vshrl.u32 v3, $0x3  }
0x62: {  	v4 =	vmul.u32 $0x30, v57  }
0x63: {  	v3 =	vand.u32 $0x7, v3  }
0x64: {  	v3 =	vor.u32 v3, v4  }
0x65: {  	v4 =	vperm.xlane v3, v0;
	_ =	sdelay $0x1  }
0x66: {  	v4 =	vadd.s32 v1, v4;
	_ =	sdelay $0x3  }
0x67: {  	v3 =	vperm.xlane v3, v2  }
0x68: {  	[tilespmem:s28], [sflag:$0x4] =	stream.indirect_vreg.gather [hbm4b:s1+s3], $0x80, v4, vm0, $0xb8;
	[tilespmem:$0x1E680] =	vst v63  }
0x69: {  	s8 =	simm.s32 $0x9E80;
	v3 =	vadd.s32 v1, v3  }
0x6a: {  	[tilespmem:s8], [sflag:$0x4] =	stream.indirect_vreg.gather [hbm4b:s5+s3], $0x80, v4, vm0, $0xb8;
	[tilespmem:$0x1E680] =	vst v63  }
0x6b: {  	s29 =	simm.s32 $0xA680  }
0x6c: {  	[tilespmem:s29], [sflag:$0x4] =	stream.indirect_vreg.gather [hbm4b:s6+s3], $0x80, v4, vm0, $0xb8;
	[tilespmem:$0x1E680] =	vst v63  }
0x6d: {  	s30 =	simm.s32 $0xAE80  }
0x6e: {  	[tilespmem:s30], [sflag:$0x4] =	stream.indirect_vreg.gather [hbm4b:s1+s3], $0x80, v3, vm0, $0xb8;
	[tilespmem:$0x1E680] =	vst v63  }
0x6f: {  	s7 =	simm.s32 $0xB680  }
0x70: {  	[tilespmem:s7], [sflag:$0x4] =	stream.indirect_vreg.gather [hbm4b:s5+s3], $0x80, v3, vm0, $0xb8;
	[tilespmem:$0x1E680] =	vst v63  }
0x71: {  	s8 =	simm.s32 $0xBE80  }
0x72: {  	[tilespmem:s8], [sflag:$0x4] =	stream.indirect_vreg.gather [hbm4b:s6+s3], $0x80, v3, vm0, $0xb8;
	[tilespmem:$0x1E680] =	vst v63  }
0x73: {  	v3 =	vld [tilespmem:$0x40];
	_ =	sdelay $0x4  }
0x74: {  	v58 =	vshrl.u32 v3, $0x3  }
0x75: {  	v4 =	vmul.u32 $0x30, v58  }
0x76: {  	v3 =	vand.u32 $0x7, v3  }
0x77: {  	v3 =	vor.u32 v3, v4  }
0x78: {  	v4 =	vperm.xlane v3, v0;
	_ =	sdelay $0x1  }
0x79: {  	v4 =	vadd.s32 v1, v4;
	_ =	sdelay $0x3  }
0x7a: {  	v3 =	vperm.xlane v3, v2  }
0x7b: {  	[tilespmem:s10], [sflag:$0x5] =	stream.indirect_vreg.gather [hbm4b:s1+s3], $0x80, v4, vm0, $0xb8;
	[tilespmem:$0x1E680] =	vst v63  }
0x7c: {  	s29 =	simm.s32 $0xCE80;
	v3 =	vadd.s32 v1, v3  }
0x7d: {  	[tilespmem:s29], [sflag:$0x5] =	stream.indirect_vreg.gather [hbm4b:s5+s3], $0x80, v4, vm0, $0xb8;
	[tilespmem:$0x1E680] =	vst v63  }
0x7e: {  	s30 =	simm.s32 $0xD680  }
0x7f: {  	[tilespmem:s30], [sflag:$0x5] =	stream.indirect_vreg.gather [hbm4b:s6+s3], $0x80, v4, vm0, $0xb8;
	[tilespmem:$0x1E680] =	vst v63  }
0x80: {  	s7 =	simm.s32 $0xDE80  }
0x81: {  	[tilespmem:s7], [sflag:$0x5] =	stream.indirect_vreg.gather [hbm4b:s1+s3], $0x80, v3, vm0, $0xb8;
	[tilespmem:$0x1E680] =	vst v63  }
0x82: {  	s8 =	simm.s32 $0xE680  }
0x83: {  	[tilespmem:s8], [sflag:$0x5] =	stream.indirect_vreg.gather [hbm4b:s5+s3], $0x80, v3, vm0, $0xb8;
	[tilespmem:$0x1E680] =	vst v63  }
0x84: {  	s29 =	simm.s32 $0xEE80  }
0x85: {  	[tilespmem:s29], [sflag:$0x5] =	stream.indirect_vreg.gather [hbm4b:s6+s3], $0x80, v3, vm0, $0xb8;
	[tilespmem:$0x1E680] =	vst v63  }
0x86: {  	v3 =	vld [tilespmem:$0x50];
	_ =	sdelay $0x4  }
0x87: {  	v59 =	vshrl.u32 v3, $0x3  }
0x88: {  	v4 =	vmul.u32 $0x30, v59  }
0x89: {  	v3 =	vand.u32 $0x7, v3  }
0x8a: {  	v3 =	vor.u32 v3, v4  }
0x8b: {  	v4 =	vperm.xlane v3, v0;
	_ =	sdelay $0x1  }
0x8c: {  	v4 =	vadd.s32 v1, v4;
	_ =	sdelay $0x3  }
0x8d: {  	v3 =	vperm.xlane v3, v2  }
0x8e: {  	[tilespmem:s17], [sflag:$0x6] =	stream.indirect_vreg.gather [hbm4b:s1+s3], $0x80, v4, vm0, $0xb8;
	[tilespmem:$0x1E680] =	vst v63  }
0x8f: {  	s30 =	simm.s32 $0xFE80;
	v3 =	vadd.s32 v1, v3  }
0x90: {  	[tilespmem:s30], [sflag:$0x6] =	stream.indirect_vreg.gather [hbm4b:s5+s3], $0x80, v4, vm0, $0xb8;
	[tilespmem:$0x1E680] =	vst v63  }
0x91: {  	s7 =	simm.s32 $0x10680  }
0x92: {  	[tilespmem:s7], [sflag:$0x6] =	stream.indirect_vreg.gather [hbm4b:s6+s3], $0x80, v4, vm0, $0xb8;
	[tilespmem:$0x1E680] =	vst v63  }
0x93: {  	s8 =	simm.s32 $0x10E80  }
0x94: {  	[tilespmem:s8], [sflag:$0x6] =	stream.indirect_vreg.gather [hbm4b:s1+s3], $0x80, v3, vm0, $0xb8;
	[tilespmem:$0x1E680] =	vst v63  }
0x95: {  	s29 =	simm.s32 $0x11680  }
0x96: {  	[tilespmem:s29], [sflag:$0x6] =	stream.indirect_vreg.gather [hbm4b:s5+s3], $0x80, v3, vm0, $0xb8;
	[tilespmem:$0x1E680] =	vst v63  }
0x97: {  	s30 =	simm.s32 $0x11E80  }
0x98: {  	[tilespmem:s30], [sflag:$0x6] =	stream.indirect_vreg.gather [hbm4b:s6+s3], $0x80, v3, vm0, $0xb8;
	[tilespmem:$0x1E680] =	vst v63  }
0x99: {  	v3 =	vld [tilespmem:$0x60];
	_ =	sdelay $0x4  }
0x9a: {  	v60 =	vshrl.u32 v3, $0x3  }
0x9b: {  	v4 =	vmul.u32 $0x30, v60  }
0x9c: {  	v3 =	vand.u32 $0x7, v3  }
0x9d: {  	v3 =	vor.u32 v3, v4  }
0x9e: {  	v4 =	vperm.xlane v3, v0;
	_ =	sdelay $0x1  }
0x9f: {  	v4 =	vadd.s32 v1, v4;
	_ =	sdelay $0x3  }
0xa0: {  	v3 =	vperm.xlane v3, v2  }
0xa1: {  	[tilespmem:s24], [sflag:$0x7] =	stream.indirect_vreg.gather [hbm4b:s1+s3], $0x80, v4, vm0, $0xb8;
	[tilespmem:$0x1E680] =	vst v63  }
0xa2: {  	s7 =	simm.s32 $0x12E80;
	v3 =	vadd.s32 v1, v3  }
0xa3: {  	[tilespmem:s7], [sflag:$0x7] =	stream.indirect_vreg.gather [hbm4b:s5+s3], $0x80, v4, vm0, $0xb8;
	[tilespmem:$0x1E680] =	vst v63  }
0xa4: {  	s8 =	simm.s32 $0x13680  }
0xa5: {  	[tilespmem:s8], [sflag:$0x7] =	stream.indirect_vreg.gather [hbm4b:s6+s3], $0x80, v4, vm0, $0xb8;
	[tilespmem:$0x1E680] =	vst v63  }
0xa6: {  	s29 =	simm.s32 $0x13E80  }
0xa7: {  	[tilespmem:s29], [sflag:$0x7] =	stream.indirect_vreg.gather [hbm4b:s1+s3], $0x80, v3, vm0, $0xb8;
	[tilespmem:$0x1E680] =	vst v63  }
0xa8: {  	s30 =	simm.s32 $0x14680  }
0xa9: {  	[tilespmem:s30], [sflag:$0x7] =	stream.indirect_vreg.gather [hbm4b:s5+s3], $0x80, v3, vm0, $0xb8;
	[tilespmem:$0x1E680] =	vst v63  }
0xaa: {  	s7 =	simm.s32 $0x14E80  }
0xab: {  	[tilespmem:s7], [sflag:$0x7] =	stream.indirect_vreg.gather [hbm4b:s6+s3], $0x80, v3, vm0, $0xb8;
	[tilespmem:$0x1E680] =	vst v63  }
0xac: {  	v3 =	vld [tilespmem:$0x70];
	_ =	sdelay $0x4  }
0xad: {  	v61 =	vshrl.u32 v3, $0x3  }
0xae: {  	v4 =	vmul.u32 $0x30, v61  }
0xaf: {  	v3 =	vand.u32 $0x7, v3  }
0xb0: {  	v3 =	vor.u32 v3, v4  }
0xb1: {  	v4 =	vperm.xlane v3, v0;
	_ =	sdelay $0x1  }
0xb2: {  	v4 =	vadd.s32 v1, v4;
	_ =	sdelay $0x3  }
0xb3: {  	v3 =	vperm.xlane v3, v2  }
0xb4: {  	[tilespmem:s2], [sflag:$0x8] =	stream.indirect_vreg.gather [hbm4b:s1+s3], $0x80, v4, vm0, $0xb8;
	[tilespmem:$0x1E680] =	vst v63  }
0xb5: {  	s8 =	simm.s32 $0x15E80;
	v3 =	vadd.s32 v1, v3  }
0xb6: {  	[tilespmem:s8], [sflag:$0x8] =	stream.indirect_vreg.gather [hbm4b:s5+s3], $0x80, v4, vm0, $0xb8;
	[tilespmem:$0x1E680] =	vst v63  }
0xb7: {  	s29 =	simm.s32 $0x16680  }
0xb8: {  	[tilespmem:s29], [sflag:$0x8] =	stream.indirect_vreg.gather [hbm4b:s6+s3], $0x80, v4, vm0, $0xb8;
	[tilespmem:$0x1E680] =	vst v63  }
0xb9: {  	s30 =	simm.s32 $0x16E80  }
0xba: {  	[tilespmem:s30], [sflag:$0x8] =	stream.indirect_vreg.gather [hbm4b:s1+s3], $0x80, v3, vm0, $0xb8;
	[tilespmem:$0x1E680] =	vst v63  }
0xbb: {  	s7 =	simm.s32 $0x17680  }
0xbc: {  	[tilespmem:s7], [sflag:$0x8] =	stream.indirect_vreg.gather [hbm4b:s5+s3], $0x80, v3, vm0, $0xb8;
	[tilespmem:$0x1E680] =	vst v63  }
0xbd: {  	s8 =	simm.s32 $0x17E80  }
0xbe: {  	[tilespmem:s8], [sflag:$0x8] =	stream.indirect_vreg.gather [hbm4b:s6+s3], $0x80, v3, vm0, $0xb8;
	[tilespmem:$0x1E680] =	vst v63  }
0xbf: {  	v3 =	vld [tilespmem:$0x80];
	_ =	sdelay $0x4  }
0xc0: {  	v62 =	vshrl.u32 v3, $0x3  }
0xc1: {  	v4 =	vmul.u32 $0x30, v62  }
0xc2: {  	v3 =	vand.u32 $0x7, v3  }
0xc3: {  	v3 =	vor.u32 v3, v4  }
0xc4: {  	v4 =	vperm.xlane v3, v0;
	_ =	sdelay $0x1  }
0xc5: {  	v4 =	vadd.s32 v1, v4;
	_ =	sdelay $0x3  }
0xc6: {  	v3 =	vperm.xlane v3, v2  }
0xc7: {  	[tilespmem:s16], [sflag:$0x9] =	stream.indirect_vreg.gather [hbm4b:s1+s3], $0x80, v4, vm0, $0xb8;
	[tilespmem:$0x1E680] =	vst v63  }
0xc8: {  	s29 =	simm.s32 $0x18E80;
	v3 =	vadd.s32 v1, v3  }
0xc9: {  	[tilespmem:s29], [sflag:$0x9] =	stream.indirect_vreg.gather [hbm4b:s5+s3], $0x80, v4, vm0, $0xb8;
	[tilespmem:$0x1E680] =	vst v63  }
0xca: {  	s30 =	simm.s32 $0x19680  }
0xcb: {  	[tilespmem:s30], [sflag:$0x9] =	stream.indirect_vreg.gather [hbm4b:s6+s3], $0x80, v4, vm0, $0xb8;
	[tilespmem:$0x1E680] =	vst v63  }
0xcc: {  	s7 =	simm.s32 $0x19E80  }
0xcd: {  	[tilespmem:s7], [sflag:$0x9] =	stream.indirect_vreg.gather [hbm4b:s1+s3], $0x80, v3, vm0, $0xb8;
	[tilespmem:$0x1E680] =	vst v63  }
0xce: {  	s8 =	simm.s32 $0x1A680  }
0xcf: {  	[tilespmem:s8], [sflag:$0x9] =	stream.indirect_vreg.gather [hbm4b:s5+s3], $0x80, v3, vm0, $0xb8;
	[tilespmem:$0x1E680] =	vst v63  }
0xd0: {  	s29 =	simm.s32 $0x1AE80  }
0xd1: {  	[tilespmem:s29], [sflag:$0x9] =	stream.indirect_vreg.gather [hbm4b:s6+s3], $0x80, v3, vm0, $0xb8;
	[tilespmem:$0x1E680] =	vst v63  }
0xd2: {  	v3 =	vld [tilespmem:$0x90];
	_ =	sdelay $0x4  }
0xd3: {  	v63 =	vshrl.u32 v3, $0x3  }
0xd4: {  	v4 =	vmul.u32 $0x30, v63  }
0xd5: {  	v3 =	vand.u32 $0x7, v3  }
0xd6: {  	v3 =	vor.u32 v3, v4  }
0xd7: {  	v4 =	vperm.xlane v3, v0;
	_ =	sdelay $0x1  }
0xd8: {  	v4 =	vadd.s32 v1, v4;
	_ =	sdelay $0x3  }
0xd9: {  	v3 =	vperm.xlane v3, v2  }
0xda: {  	[tilespmem:s25], [sflag:$0xA] =	stream.indirect_vreg.gather [hbm4b:s1+s3], $0x80, v4, vm0, $0xb8;
	[tilespmem:$0x1E680] =	vst v63  }
0xdb: {  	s30 =	simm.s32 $0x1BE80;
	v3 =	vadd.s32 v1, v3  }
0xdc: {  	[tilespmem:s30], [sflag:$0xA] =	stream.indirect_vreg.gather [hbm4b:s5+s3], $0x80, v4, vm0, $0xb8;
	[tilespmem:$0x1E680] =	vst v63  }
0xdd: {  	s7 =	simm.s32 $0x1C680  }
0xde: {  	[tilespmem:s7], [sflag:$0xA] =	stream.indirect_vreg.gather [hbm4b:s6+s3], $0x80, v4, vm0, $0xb8;
	[tilespmem:$0x1E680] =	vst v63  }
0xdf: {  	s8 =	simm.s32 $0x1CE80  }
0xe0: {  	[tilespmem:s8], [sflag:$0xA] =	stream.indirect_vreg.gather [hbm4b:s1+s3], $0x80, v3, vm0, $0xb8;
	[tilespmem:$0x1E680] =	vst v63  }
0xe1: {  	s4 =	simm.s32 $0x120;
	s29 =	simm.s32 $0x1D680  }
0xe2: {  	[tilespmem:s29], [sflag:$0xA] =	stream.indirect_vreg.gather [hbm4b:s5+s3], $0x80, v3, vm0, $0xb8;
	[tilespmem:$0x1E680] =	vst v63  }
0xe3: {  	s30 =	simm.s32 $0x1DE80;
	s7 =	simm.s32 $0xFFFFFFFE;
	s8 =	simm.s32 $0x0  }
0xe4: {  	[tilespmem:s30], [sflag:$0xA] =	stream.indirect_vreg.gather [hbm4b:s6+s3], $0x80, v3, vm0, $0xb8;
	[tilespmem:$0x1E680] =	vst v63  }
.LBB2_2:
0xe5: {  	p0 =	sgt.u32 s7, $0x59  }
0xe6: {  	s29 =	simm.s32 @!p0 $0x14  }
0xe7: {  	_ =	swait.ge @!p0 [sflag:s29], $0x3000  }
0xe8: {  	[sflag:s29] =	ssyncset.done @!p0 $0x0  }
0xe9: {  	[sflag:s29] =	ssyncadd.s32 @!p0 $0xFFFFD000  }
0xea: {  	v3 =	vld @!p0 [tilespmem:s4+$0xFFFFFF70];
	_ =	sdelay $0x4  }
0xeb: {  	v4 =	vshrl.u32 @!p0 v3, $0x3  }
0xec: {  	v4 =	vmul.u32 @!p0 $0x30, v4  }
0xed: {  	v5 =	vlaneseq.u32 @!p0;
	v3 =	vand.u32 @!p0 $0x7, v3  }
0xee: {  	v6 =	vshrl.u32 @!p0 v5, $0x3;
	v3 =	vor.u32 @!p0 v3, v4;
	v4 =	vand.u32 @!p0 $0x7, v5  }
0xef: {  	v6 =	vmul.u32 @!p0 $0x8, v6;
	v4 =	vperm.xlane @!p0 v3, v4;
	_ =	sdelay $0x1  }
0xf0: {  	v4 =	vadd.s32 @!p0 v6, v4;
	_ =	sdelay $0x2  }
0xf1: {  	v5 =	vor.u32 @!p0 $0x8, v5  }
0xf2: {  	vm1 =	vmmov @!p0 $0xffff;
	s30 =	simm.s32 @!p0 $0x1B680;
	s29 =	simm.s32 @!p0 $0x0;
	v3 =	vperm.xlane @!p0 v3, v5  }
0xf3: {  	[tilespmem:s30], [sflag:$0xA] =	stream.indirect_vreg.gather @!p0 [hbm4b:s1+s29], $0x80, v4, vm1, $0xb8;
	[tilespmem:$0x1E680] =	vst v63  }
0xf4: {  	v3 =	vadd.s32 @!p0 v6, v3;
	s30 =	simm.s32 @!p0 $0x1BE80  }
0xf5: {  	[tilespmem:s30], [sflag:$0xA] =	stream.indirect_vreg.gather @!p0 [hbm4b:s5+s29], $0x80, v4, vm1, $0xb8;
	[tilespmem:$0x1E680] =	vst v63  }
0xf6: {  	s30 =	simm.s32 @!p0 $0x1C680  }
0xf7: {  	[tilespmem:s30], [sflag:$0xA] =	stream.indirect_vreg.gather @!p0 [hbm4b:s6+s29], $0x80, v4, vm1, $0xb8;
	[tilespmem:$0x1E680] =	vst v63  }
0xf8: {  	s30 =	simm.s32 @!p0 $0x1CE80  }
0xf9: {  	[tilespmem:s30], [sflag:$0xA] =	stream.indirect_vreg.gather @!p0 [hbm4b:s1+s29], $0x80, v3, vm1, $0xb8;
	[tilespmem:$0x1E680] =	vst v63  }
0xfa: {  	s30 =	simm.s32 @!p0 $0x1D680  }
0xfb: {  	[tilespmem:s30], [sflag:$0xA] =	stream.indirect_vreg.gather @!p0 [hbm4b:s5+s29], $0x80, v3, vm1, $0xb8;
	[tilespmem:$0x1E680] =	vst v63  }
0xfc: {  	s30 =	simm.s32 @!p0 $0x1DE80  }
0xfd: {  	[tilespmem:s30], [sflag:$0xA] =	stream.indirect_vreg.gather @!p0 [hbm4b:s6+s29], $0x80, v3, vm1, $0xb8;
	[tilespmem:$0x1E680] =	vst v63  }
0xfe: {  	_ =	swait.ge [sflag:s11], $0x3000  }
0xff: {  	s30 =	rddreg [dreg:$0x5];
	[sflag:s11] =	ssyncset.done $0x0  }
0x100: {  	p0 =	seq.s32 s8, $0x21C00;
	[sflag:s11] =	ssyncadd.s32 $0xFFFFD000;
	s29 =	sadd.s32 s8, s30  }
0x101: {  	[hbm4b:s29+s3] =	stream.linear.scatter [tilespmem:s9], [sflag:$0xB], $0x3000, $0x38;
	[tilespmem:$0x1E680] =	vst v63  }
0x102: {  	s29 =	simm.s32 @!p0 $0xB  }
0x103: {  	_ =	swait.ge @!p0 [sflag:s29], $0x3000  }
0x104: {  	[sflag:s29] =	ssyncset.done @!p0 $0x0  }
0x105: {  	[sflag:s29] =	ssyncadd.s32 @!p0 $0xFFFFD000  }
0x106: {  	v3 =	vld @!p0 [tilespmem:s4+$0xFFFFFF80];
	_ =	sdelay $0x4  }
0x107: {  	v4 =	vshrl.u32 @!p0 v3, $0x3  }
0x108: {  	v4 =	vmul.u32 @!p0 $0x30, v4  }
0x109: {  	v5 =	vlaneseq.u32 @!p0;
	v3 =	vand.u32 @!p0 $0x7, v3  }
0x10a: {  	v6 =	vor.u32 @!p0 v3, v4;
	v4 =	vand.u32 @!p0 $0x7, v5;
	v3 =	vshrl.u32 @!p0 v5, $0x3  }
0x10b: {  	v7 =	vperm.xlane @!p0 v6, v4;
	v3 =	vmul.u32 @!p0 $0x8, v3;
	_ =	sdelay $0x1  }
0x10c: {  	v7 =	vadd.s32 @!p0 v3, v7;
	_ =	sdelay $0x2  }
0x10d: {  	v5 =	vor.u32 @!p0 $0x8, v5  }
0x10e: {  	vm1 =	vmmov @!p0 $0xffff;
	s30 =	simm.s32 @!p0 $0x680;
	s29 =	simm.s32 @!p0 $0x0;
	v6 =	vperm.xlane @!p0 v6, v5  }
0x10f: {  	[tilespmem:s30], [sflag:$0x1] =	stream.indirect_vreg.gather @!p0 [hbm4b:s1+s29], $0x80, v7, vm1, $0xb8;
	[tilespmem:$0x1E680] =	vst v63  }
0x110: {  	v6 =	vadd.s32 @!p0 v3, v6;
	s30 =	simm.s32 @!p0 $0xE80  }
0x111: {  	[tilespmem:s30], [sflag:$0x1] =	stream.indirect_vreg.gather @!p0 [hbm4b:s5+s29], $0x80, v7, vm1, $0xb8;
	[tilespmem:$0x1E680] =	vst v63  }
0x112: {  	s30 =	simm.s32 @!p0 $0x1680  }
0x113: {  	[tilespmem:s30], [sflag:$0x1] =	stream.indirect_vreg.gather @!p0 [hbm4b:s6+s29], $0x80, v7, vm1, $0xb8;
	[tilespmem:$0x1E680] =	vst v63  }
0x114: {  	s30 =	simm.s32 @!p0 $0x1E80  }
0x115: {  	[tilespmem:s30], [sflag:$0x1] =	stream.indirect_vreg.gather @!p0 [hbm4b:s1+s29], $0x80, v6, vm1, $0xb8;
	[tilespmem:$0x1E680] =	vst v63  }
0x116: {  	s30 =	simm.s32 @!p0 $0x2680  }
0x117: {  	[tilespmem:s30], [sflag:$0x1] =	stream.indirect_vreg.gather @!p0 [hbm4b:s5+s29], $0x80, v6, vm1, $0xb8;
	[tilespmem:$0x1E680] =	vst v63  }
0x118: {  	s30 =	simm.s32 @!p0 $0x2E80  }
0x119: {  	[tilespmem:s30], [sflag:$0x1] =	stream.indirect_vreg.gather @!p0 [hbm4b:s6+s29], $0x80, v6, vm1, $0xb8;
	[tilespmem:$0x1E680] =	vst v63  }
0x11a: {  	_ =	swait.ge [sflag:s12], $0x3000  }
0x11b: {  	s30 =	rddreg [dreg:$0x6];
	[sflag:s12] =	ssyncset.done $0x0  }
0x11c: {  	[sflag:s12] =	ssyncadd.s32 $0xFFFFD000;
	s30 =	sadd.s32 s8, s30  }
0x11d: {  	[hbm4b:s30+s3] =	stream.linear.scatter [tilespmem:s15], [sflag:$0xC], $0x3000, $0x38;
	[tilespmem:$0x1E680] =	vst v63  }
0x11e: {  	s30 =	simm.s32 @!p0 $0xC  }
0x11f: {  	_ =	swait.ge @!p0 [sflag:s30], $0x3000  }
0x120: {  	[sflag:s30] =	ssyncset.done @!p0 $0x0  }
0x121: {  	[sflag:s30] =	ssyncadd.s32 @!p0 $0xFFFFD000  }
0x122: {  	v6 =	vld @!p0 [tilespmem:s4+$0xFFFFFF90];
	_ =	sdelay $0x4  }
0x123: {  	v7 =	vshrl.u32 @!p0 v6, $0x3  }
0x124: {  	v7 =	vmul.u32 @!p0 $0x30, v7  }
0x125: {  	v6 =	vand.u32 @!p0 $0x7, v6  }
0x126: {  	v6 =	vor.u32 @!p0 v6, v7  }
0x127: {  	v7 =	vperm.xlane @!p0 v6, v4;
	_ =	sdelay $0x1  }
0x128: {  	v7 =	vadd.s32 @!p0 v3, v7;
	_ =	sdelay $0x3  }
0x129: {  	s30 =	simm.s32 @!p0 $0x3680;
	v6 =	vperm.xlane @!p0 v6, v5  }
0x12a: {  	[tilespmem:s30], [sflag:$0x2] =	stream.indirect_vreg.gather @!p0 [hbm4b:s1+s29], $0x80, v7, vm1, $0xb8;
	[tilespmem:$0x1E680] =	vst v63  }
0x12b: {  	v6 =	vadd.s32 @!p0 v3, v6;
	s30 =	simm.s32 @!p0 $0x3E80  }
0x12c: {  	[tilespmem:s30], [sflag:$0x2] =	stream.indirect_vreg.gather @!p0 [hbm4b:s5+s29], $0x80, v7, vm1, $0xb8;
	[tilespmem:$0x1E680] =	vst v63  }
0x12d: {  	s30 =	simm.s32 @!p0 $0x4680  }
0x12e: {  	[tilespmem:s30], [sflag:$0x2] =	stream.indirect_vreg.gather @!p0 [hbm4b:s6+s29], $0x80, v7, vm1, $0xb8;
	[tilespmem:$0x1E680] =	vst v63  }
0x12f: {  	s30 =	simm.s32 @!p0 $0x4E80  }
0x130: {  	[tilespmem:s30], [sflag:$0x2] =	stream.indirect_vreg.gather @!p0 [hbm4b:s1+s29], $0x80, v6, vm1, $0xb8;
	[tilespmem:$0x1E680] =	vst v63  }
0x131: {  	s30 =	simm.s32 @!p0 $0x5680  }
0x132: {  	[tilespmem:s30], [sflag:$0x2] =	stream.indirect_vreg.gather @!p0 [hbm4b:s5+s29], $0x80, v6, vm1, $0xb8;
	[tilespmem:$0x1E680] =	vst v63  }
0x133: {  	s30 =	simm.s32 @!p0 $0x5E80  }
0x134: {  	[tilespmem:s30], [sflag:$0x2] =	stream.indirect_vreg.gather @!p0 [hbm4b:s6+s29], $0x80, v6, vm1, $0xb8;
	[tilespmem:$0x1E680] =	vst v63  }
0x135: {  	_ =	swait.ge [sflag:s13], $0x3000  }
0x136: {  	s30 =	rddreg [dreg:$0x7];
	[sflag:s13] =	ssyncset.done $0x0  }
0x137: {  	[sflag:s13] =	ssyncadd.s32 $0xFFFFD000;
	s30 =	sadd.s32 s8, s30  }
0x138: {  	[hbm4b:s30+s3] =	stream.linear.scatter [tilespmem:s21], [sflag:$0xD], $0x3000, $0x38;
	[tilespmem:$0x1E680] =	vst v63  }
0x139: {  	s30 =	simm.s32 @!p0 $0xD  }
0x13a: {  	_ =	swait.ge @!p0 [sflag:s30], $0x3000  }
0x13b: {  	[sflag:s30] =	ssyncset.done @!p0 $0x0  }
0x13c: {  	[sflag:s30] =	ssyncadd.s32 @!p0 $0xFFFFD000  }
0x13d: {  	v6 =	vld @!p0 [tilespmem:s4+$0xFFFFFFA0];
	_ =	sdelay $0x4  }
0x13e: {  	v7 =	vshrl.u32 @!p0 v6, $0x3  }
0x13f: {  	v7 =	vmul.u32 @!p0 $0x30, v7  }
0x140: {  	v6 =	vand.u32 @!p0 $0x7, v6  }
0x141: {  	v6 =	vor.u32 @!p0 v6, v7  }
0x142: {  	v7 =	vperm.xlane @!p0 v6, v4;
	_ =	sdelay $0x1  }
0x143: {  	v7 =	vadd.s32 @!p0 v3, v7;
	_ =	sdelay $0x3  }
0x144: {  	s30 =	simm.s32 @!p0 $0x6680;
	v6 =	vperm.xlane @!p0 v6, v5  }
0x145: {  	[tilespmem:s30], [sflag:$0x3] =	stream.indirect_vreg.gather @!p0 [hbm4b:s1+s29], $0x80, v7, vm1, $0xb8;
	[tilespmem:$0x1E680] =	vst v63  }
0x146: {  	v6 =	vadd.s32 @!p0 v3, v6;
	s30 =	simm.s32 @!p0 $0x6E80  }
0x147: {  	[tilespmem:s30], [sflag:$0x3] =	stream.indirect_vreg.gather @!p0 [hbm4b:s5+s29], $0x80, v7, vm1, $0xb8;
	[tilespmem:$0x1E680] =	vst v63  }
0x148: {  	s30 =	simm.s32 @!p0 $0x7680  }
0x149: {  	[tilespmem:s30], [sflag:$0x3] =	stream.indirect_vreg.gather @!p0 [hbm4b:s6+s29], $0x80, v7, vm1, $0xb8;
	[tilespmem:$0x1E680] =	vst v63  }
0x14a: {  	s30 =	simm.s32 @!p0 $0x7E80  }
0x14b: {  	[tilespmem:s30], [sflag:$0x3] =	stream.indirect_vreg.gather @!p0 [hbm4b:s1+s29], $0x80, v6, vm1, $0xb8;
	[tilespmem:$0x1E680] =	vst v63  }
0x14c: {  	s30 =	simm.s32 @!p0 $0x8680  }
0x14d: {  	[tilespmem:s30], [sflag:$0x3] =	stream.indirect_vreg.gather @!p0 [hbm4b:s5+s29], $0x80, v6, vm1, $0xb8;
	[tilespmem:$0x1E680] =	vst v63  }
0x14e: {  	s30 =	simm.s32 @!p0 $0x8E80  }
0x14f: {  	[tilespmem:s30], [sflag:$0x3] =	stream.indirect_vreg.gather @!p0 [hbm4b:s6+s29], $0x80, v6, vm1, $0xb8;
	[tilespmem:$0x1E680] =	vst v63  }
0x150: {  	_ =	swait.ge [sflag:s14], $0x3000  }
0x151: {  	s30 =	rddreg [dreg:$0x8];
	[sflag:s14] =	ssyncset.done $0x0  }
0x152: {  	[sflag:s14] =	ssyncadd.s32 $0xFFFFD000;
	s30 =	sadd.s32 s8, s30  }
0x153: {  	[hbm4b:s30+s3] =	stream.linear.scatter [tilespmem:s28], [sflag:$0xE], $0x3000, $0x38;
	[tilespmem:$0x1E680] =	vst v63  }
0x154: {  	s30 =	simm.s32 @!p0 $0xE  }
0x155: {  	_ =	swait.ge @!p0 [sflag:s30], $0x3000  }
0x156: {  	[sflag:s30] =	ssyncset.done @!p0 $0x0  }
0x157: {  	[sflag:s30] =	ssyncadd.s32 @!p0 $0xFFFFD000  }
0x158: {  	v6 =	vld @!p0 [tilespmem:s4+$0xFFFFFFB0];
	_ =	sdelay $0x4  }
0x159: {  	v7 =	vshrl.u32 @!p0 v6, $0x3  }
0x15a: {  	v7 =	vmul.u32 @!p0 $0x30, v7  }
0x15b: {  	v6 =	vand.u32 @!p0 $0x7, v6  }
0x15c: {  	v6 =	vor.u32 @!p0 v6, v7  }
0x15d: {  	v7 =	vperm.xlane @!p0 v6, v4;
	_ =	sdelay $0x1  }
0x15e: {  	v7 =	vadd.s32 @!p0 v3, v7;
	_ =	sdelay $0x3  }
0x15f: {  	s30 =	simm.s32 @!p0 $0x9680;
	v6 =	vperm.xlane @!p0 v6, v5  }
0x160: {  	[tilespmem:s30], [sflag:$0x4] =	stream.indirect_vreg.gather @!p0 [hbm4b:s1+s29], $0x80, v7, vm1, $0xb8;
	[tilespmem:$0x1E680] =	vst v63  }
0x161: {  	v6 =	vadd.s32 @!p0 v3, v6;
	s30 =	simm.s32 @!p0 $0x9E80  }
0x162: {  	[tilespmem:s30], [sflag:$0x4] =	stream.indirect_vreg.gather @!p0 [hbm4b:s5+s29], $0x80, v7, vm1, $0xb8;
	[tilespmem:$0x1E680] =	vst v63  }
0x163: {  	s30 =	simm.s32 @!p0 $0xA680  }
0x164: {  	[tilespmem:s30], [sflag:$0x4] =	stream.indirect_vreg.gather @!p0 [hbm4b:s6+s29], $0x80, v7, vm1, $0xb8;
	[tilespmem:$0x1E680] =	vst v63  }
0x165: {  	s30 =	simm.s32 @!p0 $0xAE80  }
0x166: {  	[tilespmem:s30], [sflag:$0x4] =	stream.indirect_vreg.gather @!p0 [hbm4b:s1+s29], $0x80, v6, vm1, $0xb8;
	[tilespmem:$0x1E680] =	vst v63  }
0x167: {  	s30 =	simm.s32 @!p0 $0xB680  }
0x168: {  	[tilespmem:s30], [sflag:$0x4] =	stream.indirect_vreg.gather @!p0 [hbm4b:s5+s29], $0x80, v6, vm1, $0xb8;
	[tilespmem:$0x1E680] =	vst v63  }
0x169: {  	s30 =	simm.s32 @!p0 $0xBE80  }
0x16a: {  	[tilespmem:s30], [sflag:$0x4] =	stream.indirect_vreg.gather @!p0 [hbm4b:s6+s29], $0x80, v6, vm1, $0xb8;
	[tilespmem:$0x1E680] =	vst v63  }
0x16b: {  	_ =	swait.ge [sflag:s18], $0x3000  }
0x16c: {  	s30 =	rddreg [dreg:$0x9];
	[sflag:s18] =	ssyncset.done $0x0  }
0x16d: {  	[sflag:s18] =	ssyncadd.s32 $0xFFFFD000;
	s30 =	sadd.s32 s8, s30  }
0x16e: {  	[hbm4b:s30+s3] =	stream.linear.scatter [tilespmem:s10], [sflag:$0xF], $0x3000, $0x38;
	[tilespmem:$0x1E680] =	vst v63  }
0x16f: {  	s30 =	simm.s32 @!p0 $0xF  }
0x170: {  	_ =	swait.ge @!p0 [sflag:s30], $0x3000  }
0x171: {  	[sflag:s30] =	ssyncset.done @!p0 $0x0  }
0x172: {  	[sflag:s30] =	ssyncadd.s32 @!p0 $0xFFFFD000  }
0x173: {  	v6 =	vld @!p0 [tilespmem:s4+$0xFFFFFFC0];
	_ =	sdelay $0x4  }
0x174: {  	v7 =	vshrl.u32 @!p0 v6, $0x3  }
0x175: {  	v7 =	vmul.u32 @!p0 $0x30, v7  }
0x176: {  	v6 =	vand.u32 @!p0 $0x7, v6  }
0x177: {  	v6 =	vor.u32 @!p0 v6, v7  }
0x178: {  	v7 =	vperm.xlane @!p0 v6, v4;
	_ =	sdelay $0x1  }
0x179: {  	v7 =	vadd.s32 @!p0 v3, v7;
	_ =	sdelay $0x3  }
0x17a: {  	s30 =	simm.s32 @!p0 $0xC680;
	v6 =	vperm.xlane @!p0 v6, v5  }
0x17b: {  	[tilespmem:s30], [sflag:$0x5] =	stream.indirect_vreg.gather @!p0 [hbm4b:s1+s29], $0x80, v7, vm1, $0xb8;
	[tilespmem:$0x1E680] =	vst v63  }
0x17c: {  	v6 =	vadd.s32 @!p0 v3, v6;
	s30 =	simm.s32 @!p0 $0xCE80  }
0x17d: {  	[tilespmem:s30], [sflag:$0x5] =	stream.indirect_vreg.gather @!p0 [hbm4b:s5+s29], $0x80, v7, vm1, $0xb8;
	[tilespmem:$0x1E680] =	vst v63  }
0x17e: {  	s30 =	simm.s32 @!p0 $0xD680  }
0x17f: {  	[tilespmem:s30], [sflag:$0x5] =	stream.indirect_vreg.gather @!p0 [hbm4b:s6+s29], $0x80, v7, vm1, $0xb8;
	[tilespmem:$0x1E680] =	vst v63  }
0x180: {  	s30 =	simm.s32 @!p0 $0xDE80  }
0x181: {  	[tilespmem:s30], [sflag:$0x5] =	stream.indirect_vreg.gather @!p0 [hbm4b:s1+s29], $0x80, v6, vm1, $0xb8;
	[tilespmem:$0x1E680] =	vst v63  }
0x182: {  	s30 =	simm.s32 @!p0 $0xE680  }
0x183: {  	[tilespmem:s30], [sflag:$0x5] =	stream.indirect_vreg.gather @!p0 [hbm4b:s5+s29], $0x80, v6, vm1, $0xb8;
	[tilespmem:$0x1E680] =	vst v63  }
0x184: {  	s30 =	simm.s32 @!p0 $0xEE80  }
0x185: {  	[tilespmem:s30], [sflag:$0x5] =	stream.indirect_vreg.gather @!p0 [hbm4b:s6+s29], $0x80, v6, vm1, $0xb8;
	[tilespmem:$0x1E680] =	vst v63  }
0x186: {  	_ =	swait.ge [sflag:s19], $0x3000  }
0x187: {  	s30 =	rddreg [dreg:$0xd];
	[sflag:s19] =	ssyncset.done $0x0  }
0x188: {  	[sflag:s19] =	ssyncadd.s32 $0xFFFFD000;
	s30 =	sadd.s32 s8, s30  }
0x189: {  	[hbm4b:s30+s3] =	stream.linear.scatter [tilespmem:s17], [sflag:$0x10], $0x3000, $0x38;
	[tilespmem:$0x1E680] =	vst v63  }
0x18a: {  	s30 =	simm.s32 @!p0 $0x10  }
0x18b: {  	_ =	swait.ge @!p0 [sflag:s30], $0x3000  }
0x18c: {  	[sflag:s30] =	ssyncset.done @!p0 $0x0  }
0x18d: {  	[sflag:s30] =	ssyncadd.s32 @!p0 $0xFFFFD000  }
0x18e: {  	v6 =	vld @!p0 [tilespmem:s4+$0xFFFFFFD0];
	_ =	sdelay $0x4  }
0x18f: {  	v7 =	vshrl.u32 @!p0 v6, $0x3  }
0x190: {  	v7 =	vmul.u32 @!p0 $0x30, v7  }
0x191: {  	v6 =	vand.u32 @!p0 $0x7, v6  }
0x192: {  	v6 =	vor.u32 @!p0 v6, v7  }
0x193: {  	v7 =	vperm.xlane @!p0 v6, v4;
	_ =	sdelay $0x1  }
0x194: {  	v7 =	vadd.s32 @!p0 v3, v7;
	_ =	sdelay $0x3  }
0x195: {  	s30 =	simm.s32 @!p0 $0xF680;
	v6 =	vperm.xlane @!p0 v6, v5  }
0x196: {  	[tilespmem:s30], [sflag:$0x6] =	stream.indirect_vreg.gather @!p0 [hbm4b:s1+s29], $0x80, v7, vm1, $0xb8;
	[tilespmem:$0x1E680] =	vst v63  }
0x197: {  	v6 =	vadd.s32 @!p0 v3, v6;
	s30 =	simm.s32 @!p0 $0xFE80  }
0x198: {  	[tilespmem:s30], [sflag:$0x6] =	stream.indirect_vreg.gather @!p0 [hbm4b:s5+s29], $0x80, v7, vm1, $0xb8;
	[tilespmem:$0x1E680] =	vst v63  }
0x199: {  	s30 =	simm.s32 @!p0 $0x10680  }
0x19a: {  	[tilespmem:s30], [sflag:$0x6] =	stream.indirect_vreg.gather @!p0 [hbm4b:s6+s29], $0x80, v7, vm1, $0xb8;
	[tilespmem:$0x1E680] =	vst v63  }
0x19b: {  	s30 =	simm.s32 @!p0 $0x10E80  }
0x19c: {  	[tilespmem:s30], [sflag:$0x6] =	stream.indirect_vreg.gather @!p0 [hbm4b:s1+s29], $0x80, v6, vm1, $0xb8;
	[tilespmem:$0x1E680] =	vst v63  }
0x19d: {  	s30 =	simm.s32 @!p0 $0x11680  }
0x19e: {  	[tilespmem:s30], [sflag:$0x6] =	stream.indirect_vreg.gather @!p0 [hbm4b:s5+s29], $0x80, v6, vm1, $0xb8;
	[tilespmem:$0x1E680] =	vst v63  }
0x19f: {  	s30 =	simm.s32 @!p0 $0x11E80  }
0x1a0: {  	[tilespmem:s30], [sflag:$0x6] =	stream.indirect_vreg.gather @!p0 [hbm4b:s6+s29], $0x80, v6, vm1, $0xb8;
	[tilespmem:$0x1E680] =	vst v63  }
0x1a1: {  	_ =	swait.ge [sflag:s20], $0x3000  }
0x1a2: {  	s30 =	rddreg [dreg:$0xc];
	[sflag:s20] =	ssyncset.done $0x0  }
0x1a3: {  	[sflag:s20] =	ssyncadd.s32 $0xFFFFD000;
	s30 =	sadd.s32 s8, s30  }
0x1a4: {  	[hbm4b:s30+s3] =	stream.linear.scatter [tilespmem:s24], [sflag:$0x11], $0x3000, $0x38;
	[tilespmem:$0x1E680] =	vst v63  }
0x1a5: {  	s30 =	simm.s32 @!p0 $0x11  }
0x1a6: {  	_ =	swait.ge @!p0 [sflag:s30], $0x3000  }
0x1a7: {  	[sflag:s30] =	ssyncset.done @!p0 $0x0  }
0x1a8: {  	[sflag:s30] =	ssyncadd.s32 @!p0 $0xFFFFD000  }
0x1a9: {  	v6 =	vld @!p0 [tilespmem:s4+$0xFFFFFFE0];
	_ =	sdelay $0x4  }
0x1aa: {  	v7 =	vshrl.u32 @!p0 v6, $0x3  }
0x1ab: {  	v7 =	vmul.u32 @!p0 $0x30, v7  }
0x1ac: {  	v6 =	vand.u32 @!p0 $0x7, v6  }
0x1ad: {  	v6 =	vor.u32 @!p0 v6, v7  }
0x1ae: {  	v7 =	vperm.xlane @!p0 v6, v4;
	_ =	sdelay $0x1  }
0x1af: {  	v7 =	vadd.s32 @!p0 v3, v7;
	_ =	sdelay $0x3  }
0x1b0: {  	s30 =	simm.s32 @!p0 $0x12680;
	v6 =	vperm.xlane @!p0 v6, v5  }
0x1b1: {  	[tilespmem:s30], [sflag:$0x7] =	stream.indirect_vreg.gather @!p0 [hbm4b:s1+s29], $0x80, v7, vm1, $0xb8;
	[tilespmem:$0x1E680] =	vst v63  }
0x1b2: {  	v6 =	vadd.s32 @!p0 v3, v6;
	s30 =	simm.s32 @!p0 $0x12E80  }
0x1b3: {  	[tilespmem:s30], [sflag:$0x7] =	stream.indirect_vreg.gather @!p0 [hbm4b:s5+s29], $0x80, v7, vm1, $0xb8;
	[tilespmem:$0x1E680] =	vst v63  }
0x1b4: {  	s30 =	simm.s32 @!p0 $0x13680  }
0x1b5: {  	[tilespmem:s30], [sflag:$0x7] =	stream.indirect_vreg.gather @!p0 [hbm4b:s6+s29], $0x80, v7, vm1, $0xb8;
	[tilespmem:$0x1E680] =	vst v63  }
0x1b6: {  	s30 =	simm.s32 @!p0 $0x13E80  }
0x1b7: {  	[tilespmem:s30], [sflag:$0x7] =	stream.indirect_vreg.gather @!p0 [hbm4b:s1+s29], $0x80, v6, vm1, $0xb8;
	[tilespmem:$0x1E680] =	vst v63  }
0x1b8: {  	s30 =	simm.s32 @!p0 $0x14680  }
0x1b9: {  	[tilespmem:s30], [sflag:$0x7] =	stream.indirect_vreg.gather @!p0 [hbm4b:s5+s29], $0x80, v6, vm1, $0xb8;
	[tilespmem:$0x1E680] =	vst v63  }
0x1ba: {  	s30 =	simm.s32 @!p0 $0x14E80  }
0x1bb: {  	[tilespmem:s30], [sflag:$0x7] =	stream.indirect_vreg.gather @!p0 [hbm4b:s6+s29], $0x80, v6, vm1, $0xb8;
	[tilespmem:$0x1E680] =	vst v63  }
0x1bc: {  	_ =	swait.ge [sflag:s22], $0x3000  }
0x1bd: {  	s30 =	rddreg [dreg:$0xb];
	[sflag:s22] =	ssyncset.done $0x0  }
0x1be: {  	[sflag:s22] =	ssyncadd.s32 $0xFFFFD000;
	s30 =	sadd.s32 s8, s30  }
0x1bf: {  	[hbm4b:s30+s3] =	stream.linear.scatter [tilespmem:s2], [sflag:$0x12], $0x3000, $0x38;
	[tilespmem:$0x1E680] =	vst v63  }
0x1c0: {  	s30 =	simm.s32 @!p0 $0x12  }
0x1c1: {  	_ =	swait.ge @!p0 [sflag:s30], $0x3000  }
0x1c2: {  	[sflag:s30] =	ssyncset.done @!p0 $0x0  }
0x1c3: {  	[sflag:s30] =	ssyncadd.s32 @!p0 $0xFFFFD000  }
0x1c4: {  	v6 =	vld @!p0 [tilespmem:s4+$0xFFFFFFF0];
	_ =	sdelay $0x4  }
0x1c5: {  	v7 =	vshrl.u32 @!p0 v6, $0x3  }
0x1c6: {  	v7 =	vmul.u32 @!p0 $0x30, v7  }
0x1c7: {  	v6 =	vand.u32 @!p0 $0x7, v6  }
0x1c8: {  	v6 =	vor.u32 @!p0 v6, v7  }
0x1c9: {  	v7 =	vperm.xlane @!p0 v6, v4;
	_ =	sdelay $0x1  }
0x1ca: {  	v7 =	vadd.s32 @!p0 v3, v7;
	_ =	sdelay $0x3  }
0x1cb: {  	s30 =	simm.s32 @!p0 $0x15680;
	v6 =	vperm.xlane @!p0 v6, v5  }
0x1cc: {  	[tilespmem:s30], [sflag:$0x8] =	stream.indirect_vreg.gather @!p0 [hbm4b:s1+s29], $0x80, v7, vm1, $0xb8;
	[tilespmem:$0x1E680] =	vst v63  }
0x1cd: {  	v6 =	vadd.s32 @!p0 v3, v6;
	s30 =	simm.s32 @!p0 $0x15E80  }
0x1ce: {  	[tilespmem:s30], [sflag:$0x8] =	stream.indirect_vreg.gather @!p0 [hbm4b:s5+s29], $0x80, v7, vm1, $0xb8;
	[tilespmem:$0x1E680] =	vst v63  }
0x1cf: {  	s30 =	simm.s32 @!p0 $0x16680  }
0x1d0: {  	[tilespmem:s30], [sflag:$0x8] =	stream.indirect_vreg.gather @!p0 [hbm4b:s6+s29], $0x80, v7, vm1, $0xb8;
	[tilespmem:$0x1E680] =	vst v63  }
0x1d1: {  	s30 =	simm.s32 @!p0 $0x16E80  }
0x1d2: {  	[tilespmem:s30], [sflag:$0x8] =	stream.indirect_vreg.gather @!p0 [hbm4b:s1+s29], $0x80, v6, vm1, $0xb8;
	[tilespmem:$0x1E680] =	vst v63  }
0x1d3: {  	s30 =	simm.s32 @!p0 $0x17680  }
0x1d4: {  	[tilespmem:s30], [sflag:$0x8] =	stream.indirect_vreg.gather @!p0 [hbm4b:s5+s29], $0x80, v6, vm1, $0xb8;
	[tilespmem:$0x1E680] =	vst v63  }
0x1d5: {  	s30 =	simm.s32 @!p0 $0x17E80  }
0x1d6: {  	[tilespmem:s30], [sflag:$0x8] =	stream.indirect_vreg.gather @!p0 [hbm4b:s6+s29], $0x80, v6, vm1, $0xb8;
	[tilespmem:$0x1E680] =	vst v63  }
0x1d7: {  	_ =	swait.ge [sflag:s23], $0x3000  }
0x1d8: {  	s30 =	rddreg [dreg:$0xa];
	[sflag:s23] =	ssyncset.done $0x0  }
0x1d9: {  	[sflag:s23] =	ssyncadd.s32 $0xFFFFD000;
	s30 =	sadd.s32 s8, s30  }
0x1da: {  	[hbm4b:s30+s3] =	stream.linear.scatter [tilespmem:s16], [sflag:$0x13], $0x3000, $0x38;
	[tilespmem:$0x1E680] =	vst v63  }
0x1db: {  	s30 =	simm.s32 @!p0 $0x13  }
0x1dc: {  	_ =	swait.ge @!p0 [sflag:s30], $0x3000  }
0x1dd: {  	[sflag:s30] =	ssyncset.done @!p0 $0x0  }
0x1de: {  	[sflag:s30] =	ssyncadd.s32 @!p0 $0xFFFFD000  }
0x1df: {  	v6 =	vld @!p0 [tilespmem:s4+$0x0];
	_ =	sdelay $0x4  }
0x1e0: {  	v7 =	vshrl.u32 @!p0 v6, $0x3  }
0x1e1: {  	v7 =	vmul.u32 @!p0 $0x30, v7  }
0x1e2: {  	v6 =	vand.u32 @!p0 $0x7, v6  }
0x1e3: {  	v6 =	vor.u32 @!p0 v6, v7  }
0x1e4: {  	v4 =	vperm.xlane @!p0 v6, v4;
	_ =	sdelay $0x1  }
0x1e5: {  	v4 =	vadd.s32 @!p0 v3, v4;
	_ =	sdelay $0x3  }
0x1e6: {  	s30 =	simm.s32 @!p0 $0x18680;
	v5 =	vperm.xlane @!p0 v6, v5  }
0x1e7: {  	[tilespmem:s30], [sflag:$0x9] =	stream.indirect_vreg.gather @!p0 [hbm4b:s1+s29], $0x80, v4, vm1, $0xb8;
	[tilespmem:$0x1E680] =	vst v63  }
0x1e8: {  	v3 =	vadd.s32 @!p0 v3, v5;
	s30 =	simm.s32 @!p0 $0x18E80  }
0x1e9: {  	[tilespmem:s30], [sflag:$0x9] =	stream.indirect_vreg.gather @!p0 [hbm4b:s5+s29], $0x80, v4, vm1, $0xb8;
	[tilespmem:$0x1E680] =	vst v63  }
0x1ea: {  	s30 =	simm.s32 @!p0 $0x19680  }
0x1eb: {  	[tilespmem:s30], [sflag:$0x9] =	stream.indirect_vreg.gather @!p0 [hbm4b:s6+s29], $0x80, v4, vm1, $0xb8;
	[tilespmem:$0x1E680] =	vst v63  }
0x1ec: {  	s30 =	simm.s32 @!p0 $0x19E80  }
0x1ed: {  	[tilespmem:s30], [sflag:$0x9] =	stream.indirect_vreg.gather @!p0 [hbm4b:s1+s29], $0x80, v3, vm1, $0xb8;
	[tilespmem:$0x1E680] =	vst v63  }
0x1ee: {  	s30 =	simm.s32 @!p0 $0x1A680  }
0x1ef: {  	[tilespmem:s30], [sflag:$0x9] =	stream.indirect_vreg.gather @!p0 [hbm4b:s5+s29], $0x80, v3, vm1, $0xb8;
	[tilespmem:$0x1E680] =	vst v63  }
0x1f0: {  	s30 =	simm.s32 @!p0 $0x1AE80  }
0x1f1: {  	[tilespmem:s30], [sflag:$0x9] =	stream.indirect_vreg.gather @!p0 [hbm4b:s6+s29], $0x80, v3, vm1, $0xb8;
	[tilespmem:$0x1E680] =	vst v63  }
0x1f2: {  	_ =	swait.ge [sflag:s26], $0x3000  }
0x1f3: {  	s30 =	rddreg [dreg:$0x4]  }
0x1f4: {  	s29 =	sadd.s32 s8, s30;
	s8 =	sadd.s32 $0x3C00, s8  }
0x1f5: {  	p0 =	sne.s32 s8, $0x25800  }
.Ltmp0:
0x1f6: {  	_ = 	snop;
	(pc) =	sbr.rel @p0 .LBB2_2-.Ltmp0, $4  }
0x1f7: {  	_ = 	snop  }
0x1f8: {  	[sflag:s26] =	ssyncset.done $0x0  }
0x1f9: {  	s7 =	sadd.s32 $0xA, s7;
	s4 =	sadd.s32 $0xA0, s4;
	[sflag:s26] =	ssyncadd.s32 $0xFFFFD000  }
0x1fa: {  	[hbm4b:s29+s3] =	stream.linear.scatter [tilespmem:s25], [sflag:$0x14], $0x3000, $0x38;
	[tilespmem:$0x1E680] =	vst v63  }
0x1fb: {  	s4 =	simm.s32 $0xB  }
0x1fc: {  	_ =	swait.ge [sflag:s4], $0x3000  }
0x1fd: {  	[sflag:s4] =	ssyncset.done $0x0  }
0x1fe: {  	s30 =	simm.s32 $0xC;
	[sflag:s4] =	ssyncadd.s32 $0xFFFFD000  }
0x1ff: {  	_ =	swait.ge [sflag:s30], $0x3000  }
0x200: {  	[sflag:s30] =	ssyncset.done $0x0  }
0x201: {  	s7 =	simm.s32 $0xD;
	[sflag:s30] =	ssyncadd.s32 $0xFFFFD000  }
0x202: {  	_ =	swait.ge [sflag:s7], $0x3000  }
0x203: {  	[sflag:s7] =	ssyncset.done $0x0  }
0x204: {  	s8 =	simm.s32 $0xE;
	[sflag:s7] =	ssyncadd.s32 $0xFFFFD000  }
0x205: {  	_ =	swait.ge [sflag:s8], $0x3000  }
0x206: {  	[sflag:s8] =	ssyncset.done $0x0  }
0x207: {  	s29 =	simm.s32 $0xF;
	[sflag:s8] =	ssyncadd.s32 $0xFFFFD000  }
0x208: {  	_ =	swait.ge [sflag:s29], $0x3000  }
0x209: {  	[sflag:s29] =	ssyncset.done $0x0  }
0x20a: {  	s30 =	simm.s32 $0x10;
	[sflag:s29] =	ssyncadd.s32 $0xFFFFD000  }
0x20b: {  	_ =	swait.ge [sflag:s30], $0x3000  }
0x20c: {  	[sflag:s30] =	ssyncset.done $0x0  }
0x20d: {  	s7 =	simm.s32 $0x11;
	[sflag:s30] =	ssyncadd.s32 $0xFFFFD000  }
0x20e: {  	_ =	swait.ge [sflag:s7], $0x3000  }
0x20f: {  	[sflag:s7] =	ssyncset.done $0x0  }
0x210: {  	s8 =	simm.s32 $0x12;
	[sflag:s7] =	ssyncadd.s32 $0xFFFFD000  }
0x211: {  	_ =	swait.ge [sflag:s8], $0x3000  }
0x212: {  	[sflag:s8] =	ssyncset.done $0x0  }
0x213: {  	s29 =	simm.s32 $0x13;
	[sflag:s8] =	ssyncadd.s32 $0xFFFFD000  }
0x214: {  	_ =	swait.ge [sflag:s29], $0x3000  }
0x215: {  	[sflag:s29] =	ssyncset.done $0x0  }
0x216: {  	[sflag:s29] =	ssyncadd.s32 $0xFFFFD000  }
0x217: {  	_ =	swait.ge [sflag:s31], $0x3000  }
0x218: {  	s0 =	sadd.s32 $0x1, s0;
	s30 =	rddreg [dreg:$0xf]  }
0x219: {  	p0 =	sne.s32 s0, s30  }
.Ltmp1:
0x21a: {  	_ = 	snop;
	(pc) =	sbr.rel @p0 .LBB2_1-.Ltmp1, $3  }
0x21b: {  	_ =	sdelay $0x1  }
0x21c: {  	[sflag:s31] =	ssyncset.done $0x0  }
0x21d: {  	[sflag:s31] =	ssyncadd.s32 $0xFFFFD000  }
0x21e: {  	_ =	sfence.sel $0x180000  }
0x21f: {  	[bflag:$0x0] =	sbarrier.arrive $0xFFFF  }
0x220: {  	_ =	strace $0x90000047  }
0x221: {  	s0 =	stileid.u32;
	[bflag:$0x2] =	sbarrier.arrive $0xFFFF  }
0x222: {  	p0 =	sne.s32 s0, $0x0;
	s0 =	rddreg [dreg:$0x3]  }
0x223: {  	s0 =	sadd.s32 @!p0 $0x100000, s0  }
0x224: {  	[sflag:s0] =	ssyncadd.tile.s32 @!p0 $0x1;
	_ =	shalt  }
.Lfunc_end2:
_tile_overlayer_lowered:
.L_overlay_start_2:
0x225: {  	(tag) =	ssettag $0x2  }
0x226: {  	s0 =	rddreg [dreg:$0x0];
	s2 =	stileid.u32  }
0x227: {  	s1 =	rddreg [dreg:$0x1];
	p0 =	sne.s32 s2, $0x0  }
0x228: {  	s3 =	rddreg [dreg:$0x2];
	[bflag:$0x3] =	sbarrier.arrive $0xFFFF;
	s2 =	simm.s32 @!p0 $0x1C15  }
0x229: {  	[timem:s3], [sflag:s2] =	dma.local @!p0 [hbm:s0], s1  }
0x22a: {  	s0 =	simm.s32 @!p0 $0x15  }
0x22b: {  	_ =	swait.ge @!p0 [sflag:s0], s1  }
0x22c: {  	s1 =	ssub.s32 @!p0 $0x0, s1;
	[sflag:s0] =	ssyncset.done @!p0 $0x0  }
0x22d: {  	[sflag:s0] =	ssyncadd.s32 @!p0 s1  }
0x22e: {  	[bflag:$0x3] =	sbarrier.arrive $0xFFFF  }
0x22f: {  	_ =	shalt  }

</sc_bundles>
